<compile_context>
chip_gen: v7x
topology: tpu7x:2x2x1
jax: 0.10.2.dev20260603
libtpu: 0.0.44.dev20260713+nightly
codegen_flags: <defaults>
</compile_context>

<pallas_src>
import functools

import numpy as np
import jax
import jax.numpy as jnp
from jax import lax
from jax.experimental import pallas as pl
from jax.experimental.pallas import tpu as pltpu
from jax.experimental.pallas import tpu_sc as plsc

_N, _D, _H, _E, _K = 2048, 768, 3072, 8, 2
_BLOCK = 256
_NBLK = (_N * _K) // _BLOCK + _E
_PAD = _NBLK * _BLOCK
_NPAIR = _N * _K
_EPS = float(np.finfo(np.float64).eps)
_NW = 32


def _gate_body(x_ref, wg_ref, p_ref, g_ref, ri_ref, first_ref, rex_ref,
               nr_ref, bu_ref, xsm_ref):
    x = x_ref[...]
    wg = wg_ref[...]
    logits = lax.dot_general(x, wg, (((1,), (1,)), ((), ())),
                             preferred_element_type=jnp.float32)
    ioe = lax.broadcasted_iota(jnp.int32, (_N, _E), 1)
    m1 = jnp.max(logits, axis=1, keepdims=True)
    i1 = jnp.min(jnp.where(logits == m1, ioe, _E), axis=1, keepdims=True)
    l2 = jnp.where(ioe == i1, jnp.float32(-jnp.inf), logits)
    m2 = jnp.max(l2, axis=1, keepdims=True)
    i2 = jnp.min(jnp.where(l2 == m2, ioe, _E), axis=1, keepdims=True)
    e21 = jnp.exp(m2 - m1)
    g1 = 1.0 / (1.0 + e21)
    g2 = e21 / (1.0 + e21)

    oh1 = (ioe == i1).astype(jnp.float32)
    oh2 = (ioe == i2).astype(jnp.float32)

    bs = 512
    nchunk = _NPAIR // bs
    ti = lax.broadcasted_iota(jnp.int32, (bs, bs), 0)
    tj = lax.broadcasted_iota(jnp.int32, (bs, bs), 1)
    tri = (ti > tj).astype(jnp.float32)
    run = jnp.zeros((1, _E), jnp.float32)
    rank_chunks = []
    for j in range(nchunk):
        if j < nchunk // 2:
            mj = oh1[j * bs:(j + 1) * bs]
        else:
            mj = oh2[(j - nchunk // 2) * bs:(j - nchunk // 2 + 1) * bs]
        rank_chunks.append(
            lax.dot_general(tri, mj, (((1,), (0,)), ((), ())),
                            preferred_element_type=jnp.float32) + run)
        run = run + jnp.sum(mj, axis=0, keepdims=True)
    counts = run

    nb = jnp.floor((counts + (_BLOCK - 1)) / _BLOCK)
    si = lax.broadcasted_iota(jnp.int32, (_E, _E), 0)
    sj = lax.broadcasted_iota(jnp.int32, (_E, _E), 1)
    sl = (si < sj).astype(jnp.float32)
    bo = lax.dot_general(nb, sl, (((1,), (0,)), ((), ())),
                         preferred_element_type=jnp.float32)

    p_chunks = []
    for j in range(nchunk):
        if j < nchunk // 2:
            mj = oh1[j * bs:(j + 1) * bs]
        else:
            mj = oh2[(j - nchunk // 2) * bs:(j - nchunk // 2 + 1) * bs]
        sb = lax.dot_general(mj, bo * _BLOCK, (((1,), (1,)), ((), ())),
                             preferred_element_type=jnp.float32)
        rr = jnp.sum(rank_chunks[j] * mj, axis=1, keepdims=True)
        p_chunks.append(sb + rr)
    p_ref[...] = jnp.concatenate(p_chunks, axis=0).astype(jnp.int32)
    g_ref[...] = jnp.concatenate([g1, g2], axis=0)

    iobi = lax.broadcasted_iota(jnp.int32, (_NBLK, _E), 0)
    nbpos = nb > 0
    first_m = jnp.logical_and(iobi == bo.astype(jnp.int32),
                              jnp.broadcast_to(nbpos, (_NBLK, _E)))
    first = jnp.sum(first_m.astype(jnp.float32), axis=1, keepdims=True)
    t24i = lax.broadcasted_iota(jnp.int32, (_NBLK, _NBLK), 0)
    t24j = lax.broadcasted_iota(jnp.int32, (_NBLK, _NBLK), 1)
    t24 = (t24i >= t24j).astype(jnp.float32)
    ri = lax.dot_general(t24, first, (((1,), (0,)), ((), ())),
                         preferred_element_type=jnp.float32) - 1.0
    ridx = lax.dot_general(nbpos.astype(jnp.float32), sl,
                           (((1,), (0,)), ((), ())),
                           preferred_element_type=jnp.float32)
    iorr = lax.broadcasted_iota(jnp.int32, (_E, _E), 0)
    run_m = jnp.logical_and(iorr == ridx.astype(jnp.int32),
                            jnp.broadcast_to(nbpos, (_E, _E)))
    lanecol = lax.broadcasted_iota(jnp.int32, (_E, 1), 0).astype(jnp.float32)
    rex = lax.dot_general(run_m.astype(jnp.float32), lanecol,
                          (((1,), (0,)), ((), ())),
                          preferred_element_type=jnp.float32)
    nr = jnp.sum(nbpos.astype(jnp.float32), axis=1, keepdims=True)
    ri_ref[...] = ri.astype(jnp.int32)
    first_ref[...] = first.astype(jnp.int32)
    rex_ref[...] = rex.astype(jnp.int32)
    nr_ref[...] = nr.astype(jnp.int32)
    total = jnp.sum(nb, axis=1, keepdims=True)
    iob1 = lax.broadcasted_iota(jnp.int32, (_NBLK, 1), 0).astype(jnp.float32)
    bu_ref[...] = (iob1 < total).astype(jnp.int32)
    xsm_ref[...] = jnp.minimum(iob1, total - 1.0).astype(jnp.int32)


def _gating(x, w_gate):
    return pl.pallas_call(
        _gate_body,
        out_shape=(
            jax.ShapeDtypeStruct((_NPAIR, 1), jnp.int32),
            jax.ShapeDtypeStruct((_NPAIR, 1), jnp.float32),
            jax.ShapeDtypeStruct((_NBLK, 1), jnp.int32),
            jax.ShapeDtypeStruct((_NBLK, 1), jnp.int32),
            jax.ShapeDtypeStruct((_E, 1), jnp.int32),
            jax.ShapeDtypeStruct((1, 1), jnp.int32),
            jax.ShapeDtypeStruct((_NBLK, 1), jnp.int32),
            jax.ShapeDtypeStruct((_NBLK, 1), jnp.int32),
        ),
    )(x, w_gate)


def _dispatch(x, p):
    ch = _NPAIR // _NW
    hc = ch // 2
    mesh = plsc.VectorSubcoreMesh(core_axis_name="c", subcore_axis_name="s")

    @functools.partial(
        pl.kernel, mesh=mesh,
        out_type=jax.ShapeDtypeStruct((_PAD, _D), jnp.float32),
        scratch_types=[
            pltpu.VMEM((2, hc), jnp.int32),
            pltpu.VMEM((2, hc, _D), jnp.float32),
            pltpu.SemaphoreType.DMA((2,)),
            pltpu.SemaphoreType.DMA((2,)),
        ],
    )
    def k(x_hbm, p_hbm, xs_hbm, idx_v, rows_v, lsem, ssem):
        wid = lax.axis_index("s") * 2 + lax.axis_index("c")
        base = wid * ch
        xb = lax.rem(base, _N)
        l0 = pltpu.make_async_copy(x_hbm.at[pl.ds(xb, hc)],
                                   rows_v.at[0], lsem.at[0])
        l1 = pltpu.make_async_copy(x_hbm.at[pl.ds(xb + hc, hc)],
                                   rows_v.at[1], lsem.at[1])
        l0.start()
        l1.start()
        pltpu.sync_copy(p_hbm.at[pl.ds(base, hc)], idx_v.at[0])
        pltpu.sync_copy(p_hbm.at[pl.ds(base + hc, hc)], idx_v.at[1])
        l0.wait()
        s0 = pltpu.make_async_copy(rows_v.at[0], xs_hbm.at[idx_v.at[0]],
                                   ssem.at[0])
        s0.start()
        l1.wait()
        s1 = pltpu.make_async_copy(rows_v.at[1], xs_hbm.at[idx_v.at[1]],
                                   ssem.at[1])
        s1.start()
        s0.wait()
        s1.wait()

    return k(x, p)


def _ffn_body(ri_ref, first_ref, rex_ref, nr_ref, bu_ref, xsm_ref,
              xs_ref, w1_hbm, b1_ref, w2_hbm, b2_ref, out_ref,
              w1_buf, w2_buf, sem1, sem2):
    b = pl.program_id(0)
    ri = ri_ref[b]
    slot = lax.rem(ri, 2)

    def _start_fetch(run, slot_):
        e = rex_ref[run]
        pltpu.make_async_copy(w1_hbm.at[e], w1_buf.at[slot_],
                              sem1.at[slot_]).start()
        pltpu.make_async_copy(w2_hbm.at[e], w2_buf.at[slot_],
                              sem2.at[slot_]).start()

    @pl.when(b == 0)
    def _():
        _start_fetch(0, 0)

    @pl.when(first_ref[b] == 1)
    def _():
        nxt = ri + 1

        @pl.when(nxt < nr_ref[0])
        def _():
            _start_fetch(nxt, lax.rem(nxt, 2))

        e = rex_ref[ri]
        pltpu.make_async_copy(w1_hbm.at[e], w1_buf.at[slot],
                              sem1.at[slot]).wait()
        pltpu.make_async_copy(w2_hbm.at[e], w2_buf.at[slot],
                              sem2.at[slot]).wait()

    @pl.when(bu_ref[b] == 1)
    def _():
        e = rex_ref[ri]
        xs = xs_ref[...].astype(jnp.bfloat16)
        hh = _H // 2
        o = jnp.zeros((_BLOCK, _D), jnp.float32) + b2_ref[e][None, :]
        for j in range(2):
            w1h = w1_buf[slot, pl.ds(j * hh, hh), :].astype(jnp.bfloat16)
            hv = lax.dot_general(xs, w1h, (((1,), (1,)), ((), ())),
                                 preferred_element_type=jnp.float32)
            hv = jnp.maximum(hv + b1_ref[e, pl.ds(j * hh, hh)][None, :], 0.0)
            w2h = w2_buf[slot, :, pl.ds(j * hh, hh)].astype(jnp.bfloat16)
            o = o + lax.dot_general(hv.astype(jnp.bfloat16), w2h,
                                    (((1,), (1,)), ((), ())),
                                    preferred_element_type=jnp.float32)
        mx = jnp.max(o, axis=1, keepdims=True)
        ex = jnp.exp(o - mx)
        out_ref[...] = ex / jnp.sum(ex, axis=1, keepdims=True)


def _ffn(xs, W1, b1, W2, b2, ri, first, rex, nr, bu, xsm):
    grid_spec = pltpu.PrefetchScalarGridSpec(
        num_scalar_prefetch=6,
        grid=(_NBLK,),
        in_specs=[
            pl.BlockSpec((_BLOCK, _D),
                         lambda b, ri, fi, re, nr, bu, xsm: (xsm[b], 0)),
            pl.BlockSpec(memory_space=pl.ANY),
            pl.BlockSpec((_E, _H), lambda b, *_: (0, 0)),
            pl.BlockSpec(memory_space=pl.ANY),
            pl.BlockSpec((_E, _D), lambda b, *_: (0, 0)),
        ],
        out_specs=pl.BlockSpec((_BLOCK, _D),
                               lambda b, ri, fi, re, nr, bu, xsm: (xsm[b], 0)),
        scratch_shapes=[
            pltpu.VMEM((2, _H, _D), jnp.float32),
            pltpu.VMEM((2, _D, _H), jnp.float32),
            pltpu.SemaphoreType.DMA((2,)),
            pltpu.SemaphoreType.DMA((2,)),
        ],
    )
    return pl.pallas_call(
        _ffn_body,
        grid_spec=grid_spec,
        out_shape=jax.ShapeDtypeStruct((_PAD, _D), jnp.float32),
        compiler_params=pltpu.CompilerParams(
            vmem_limit_bytes=112 * 1024 * 1024),
    )(ri, first, rex, nr, bu, xsm, xs, W1, b1, W2, b2)


def _combine_gather(contrib, p):
    ch = _N // _NW
    mesh = plsc.VectorSubcoreMesh(core_axis_name="c", subcore_axis_name="s")

    @functools.partial(
        pl.kernel, mesh=mesh,
        out_type=(
            jax.ShapeDtypeStruct((_N, _D), jnp.float32),
            jax.ShapeDtypeStruct((_N, _D), jnp.float32),
        ),
        scratch_types=[
            pltpu.VMEM((ch,), jnp.int32),
            pltpu.VMEM((ch,), jnp.int32),
            pltpu.VMEM((ch, _D), jnp.float32),
            pltpu.VMEM((ch, _D), jnp.float32),
            pltpu.SemaphoreType.DMA,
            pltpu.SemaphoreType.DMA,
        ],
    )
    def k(contrib_hbm, p_hbm, c1_hbm, c2_hbm, i1v, i2v, r1v, r2v, s1, s2):
        wid = lax.axis_index("s") * 2 + lax.axis_index("c")
        base = wid * ch
        a1 = pltpu.make_async_copy(p_hbm.at[pl.ds(base, ch)], i1v, s1)
        a2 = pltpu.make_async_copy(p_hbm.at[pl.ds(_N + base, ch)], i2v, s2)
        a1.start()
        a2.start()
        a1.wait()
        cp1 = pltpu.async_copy(contrib_hbm.at[i1v], r1v, s1)
        a2.wait()
        cp2 = pltpu.async_copy(contrib_hbm.at[i2v], r2v, s2)
        cp1.wait()
        w1 = pltpu.make_async_copy(r1v, c1_hbm.at[pl.ds(base, ch)], s1)
        w1.start()
        cp2.wait()
        w2 = pltpu.make_async_copy(r2v, c2_hbm.at[pl.ds(base, ch)], s2)
        w2.start()
        w1.wait()
        w2.wait()

    return k(contrib, p)


def _combine_body(c1_ref, c2_ref, g1_ref, g2_ref, out_ref):
    c = g1_ref[...] * c1_ref[...] + g2_ref[...] * c2_ref[...]
    c = jnp.where(c == 0.0, jnp.float32(_EPS), c)
    out_ref[...] = jnp.log(c)


def _combine(c1, c2, g):
    nb = _N // _BLOCK
    return pl.pallas_call(
        _combine_body,
        grid=(nb,),
        in_specs=[
            pl.BlockSpec((_BLOCK, _D), lambda i: (i, 0)),
            pl.BlockSpec((_BLOCK, _D), lambda i: (i, 0)),
            pl.BlockSpec((_BLOCK, 1), lambda i: (i, 0)),
            pl.BlockSpec((_BLOCK, 1), lambda i: (nb + i, 0)),
        ],
        out_specs=pl.BlockSpec((_BLOCK, _D), lambda i: (i, 0)),
        out_shape=jax.ShapeDtypeStruct((_N, _D), jnp.float32),
    )(c1, c2, g, g)


def kernel(x, w_gate, W1, b1, W2, b2):
    p2, g2_, ri2, first2, rex2, nr2, bu2, xsm2 = _gating(x, w_gate)
    p = p2.reshape((_NPAIR,))
    ri = ri2.reshape((_NBLK,))
    first = first2.reshape((_NBLK,))
    rex = rex2.reshape((_E,))
    nr = nr2.reshape((1,))
    bu = bu2.reshape((_NBLK,))
    xsm = xsm2.reshape((_NBLK,))
    xs = _dispatch(x, p)
    contrib = _ffn(xs, W1, b1, W2, b2, ri, first, rex, nr, bu, xsm)
    c1, c2 = _combine_gather(contrib, p)
    return _combine(c1, c2, g2_)

# --- scband reference (transcript-rebuilt; emitter-appended) ---
"""Pipeline reference for scband-smo-e-22016002359372 (READ-ONLY COPY).

The authoritative reference and input builder live on the scoring server;
editing this copy changes nothing except your own understanding.
"""

import jax, jax.numpy as jnp
import numpy as np

E = 8
K = 2
D = 768
H = 3072
N = 2048


def setup_inputs(seed: int = 0) -> dict:
    key = jax.random.key(seed)
    ks = jax.random.split(key, 6)
    x = jax.random.normal(ks[0], (N, D), dtype=jnp.float32)
    w_gate = jax.random.normal(ks[1], (E, D), dtype=jnp.float32) * 0.02
    W1 = jax.random.normal(ks[2], (E, H, D), dtype=jnp.float32) * 0.02
    b1 = jnp.zeros((E, H), dtype=jnp.float32)
    W2 = jax.random.normal(ks[3], (E, D, H), dtype=jnp.float32) * 0.02
    b2 = jnp.zeros((E, D), dtype=jnp.float32)
    return {"x": x, "w_gate": w_gate, "W1": W1, "b1": b1, "W2": W2, "b2": b2}


def reference(x, w_gate, W1, b1, W2, b2):
    # --- noisy_top_k_gating (eval mode: no noise added) ---
    logits = x @ w_gate.T                              # [N, E]
    top_logits, top_idx = jax.lax.top_k(logits, K)     # [N, K]
    top_gates = jax.nn.softmax(top_logits, axis=1)     # softmax over the top-k logits
    one_hot = jax.nn.one_hot(top_idx, E, dtype=x.dtype)  # [N, K, E]
    gates = jnp.einsum('nke,nk->ne', one_hot, top_gates)  # sparse gates scattered back, [N, E]

    # --- experts (SMoE_MLP: fc1 -> relu -> fc2 -> log_softmax; dropout is identity in eval) ---
    # Dense-equivalent of SparseDispatcher: tokens with gates[b,e] == 0 contribute 0 in combine.
    h = jnp.einsum('nd,ehd->neh', x, W1) + b1[None, :, :]   # [N, E, H]
    h = jax.nn.relu(h)
    out = jnp.einsum('neh,edh->ned', h, W2) + b2[None, :, :]  # [N, E, D]
    log_probs = jax.nn.log_softmax(out, axis=-1)

    # --- SparseDispatcher.combine: exp, multiply by gates, index_add (sum over experts), eps floor, log ---
    stitched = jnp.exp(log_probs) * gates[:, :, None]   # [N, E, D]
    combined = jnp.sum(stitched, axis=1)                # [N, D]
    eps = np.finfo(float).eps
    combined = jnp.where(combined == 0, eps, combined)
    return jnp.log(combined)

if __name__ == "__main__":
    import jax
    _d = setup_inputs()
    print(jax.jit(kernel)(*tuple(_d.values())))

</pallas_src>

<mosaic_0001>
#map = affine_map<(d0, d1) -> (0, 0)>
#map1 = affine_map<(d0, d1) -> (0)>
module attributes {stable_mosaic.version = 14 : i64} {
  func.func @k(%arg0: i32, %arg1: i32, %arg2: memref<6144x768xf32, #tpu.memory_space<hbm>>, %arg3: memref<4096xi32, #tpu.memory_space<hbm>>, %arg4: memref<2048x768xf32, #tpu.memory_space<hbm>>, %arg5: memref<2048x768xf32, #tpu.memory_space<hbm>>, %arg6: memref<64xi32, #tpu.memory_space<vmem>>, %arg7: memref<64xi32, #tpu.memory_space<vmem>>, %arg8: memref<64x768xf32, #tpu.memory_space<vmem>>, %arg9: memref<64x768xf32, #tpu.memory_space<vmem>>, %arg10: memref<!tpu.dma_semaphore, #tpu.memory_space<semaphore_mem>>, %arg11: memref<!tpu.dma_semaphore, #tpu.memory_space<semaphore_mem>>) attributes {dimension_semantics = [#tpu.dimension_semantics<core_parallel>, #tpu.dimension_semantics<subcore_parallel>], iteration_bounds = array<i64: 2, 16>, scalar_prefetch = 0 : i64, scratch_operands = 6 : i64, tpu.core_type = #tpu.core_type<sc_vector_subcore>, window_params = [{transform_indices = #map}, {transform_indices = #map1}, {transform_indices = #map}, {transform_indices = #map}]} {
    %mul3A = arith.constant 2 : i32
    %mul3A_0 = arith.muli %arg1, %mul3A : i32
    %add3A = arith.addi %mul3A_0, %arg0 : i32
    %mul3A_1 = arith.constant 64 : i32
    %mul3A_2 = arith.muli %add3A, %mul3A_1 : i32
    %add3A_3 = arith.constant 2048 : i32
    %add3A_4 = arith.addi %add3A_3, %mul3A_2 : i32
    %dma_start3A = tpu.memref_slice %arg3[%mul3A_2] : memref<4096xi32, #tpu.memory_space<hbm>> -> memref<64xi32, #tpu.memory_space<hbm>>
    %dma_start3A_5 = tpu.memref_slice %arg3[%mul3A_2] : memref<4096xi32, #tpu.memory_space<hbm>> -> memref<64xi32, #tpu.memory_space<hbm>>
    tpu.enqueue_dma source(%dma_start3A_5 : memref<64xi32, #tpu.memory_space<hbm>>) target(%arg6 : memref<64xi32, #tpu.memory_space<vmem>>) target_semaphore(%arg10 : memref<!tpu.dma_semaphore, #tpu.memory_space<semaphore_mem>>)
    %dma_start3A_6 = tpu.memref_slice %arg3[%add3A_4] : memref<4096xi32, #tpu.memory_space<hbm>> -> memref<64xi32, #tpu.memory_space<hbm>>
    %dma_start3A_7 = tpu.memref_slice %arg3[%add3A_4] : memref<4096xi32, #tpu.memory_space<hbm>> -> memref<64xi32, #tpu.memory_space<hbm>>
    tpu.enqueue_dma source(%dma_start3A_7 : memref<64xi32, #tpu.memory_space<hbm>>) target(%arg7 : memref<64xi32, #tpu.memory_space<vmem>>) target_semaphore(%arg11 : memref<!tpu.dma_semaphore, #tpu.memory_space<semaphore_mem>>)
    %dma_wait3A = tpu.memref_slice %arg3[%mul3A_2] : memref<4096xi32, #tpu.memory_space<hbm>> -> memref<64xi32, #tpu.memory_space<hbm>>
    %dma_wait3A_8 = tpu.memref_slice %arg3[%mul3A_2] : memref<4096xi32, #tpu.memory_space<hbm>> -> memref<64xi32, #tpu.memory_space<hbm>>
    tpu.wait_dma2 semaphore(%arg10 : memref<!tpu.dma_semaphore, #tpu.memory_space<semaphore_mem>>) src(%dma_wait3A_8 : memref<64xi32, #tpu.memory_space<hbm>>) dst(%arg6 : memref<64xi32, #tpu.memory_space<vmem>>)
    %dma_start3A_9 = arith.constant 0 : i32
    %dma_start3A_10 = arith.constant 0 : i32
    %dma_start3A_11 = tpu.memref_slice %arg2[%dma_start3A_9, %dma_start3A_10] : memref<6144x768xf32, #tpu.memory_space<hbm>> -> memref<6144x768xf32, #tpu.memory_space<hbm>>
    tpu.enqueue_indirect_dma source(%dma_start3A_11 : memref<6144x768xf32, #tpu.memory_space<hbm>>) target(%arg8 : memref<64x768xf32, #tpu.memory_space<vmem>>) offsets(%arg6 : memref<64xi32, #tpu.memory_space<vmem>>) semaphore(%arg10 : memref<!tpu.dma_semaphore, #tpu.memory_space<semaphore_mem>>)
    %dma_wait3A_12 = tpu.memref_slice %arg3[%add3A_4] : memref<4096xi32, #tpu.memory_space<hbm>> -> memref<64xi32, #tpu.memory_space<hbm>>
    %dma_wait3A_13 = tpu.memref_slice %arg3[%add3A_4] : memref<4096xi32, #tpu.memory_space<hbm>> -> memref<64xi32, #tpu.memory_space<hbm>>
    tpu.wait_dma2 semaphore(%arg11 : memref<!tpu.dma_semaphore, #tpu.memory_space<semaphore_mem>>) src(%dma_wait3A_13 : memref<64xi32, #tpu.memory_space<hbm>>) dst(%arg7 : memref<64xi32, #tpu.memory_space<vmem>>)
    %dma_start3A_14 = arith.constant 0 : i32
    %dma_start3A_15 = arith.constant 0 : i32
    %dma_start3A_16 = tpu.memref_slice %arg2[%dma_start3A_14, %dma_start3A_15] : memref<6144x768xf32, #tpu.memory_space<hbm>> -> memref<6144x768xf32, #tpu.memory_space<hbm>>
    tpu.enqueue_indirect_dma source(%dma_start3A_16 : memref<6144x768xf32, #tpu.memory_space<hbm>>) target(%arg9 : memref<64x768xf32, #tpu.memory_space<vmem>>) offsets(%arg7 : memref<64xi32, #tpu.memory_space<vmem>>) semaphore(%arg11 : memref<!tpu.dma_semaphore, #tpu.memory_space<semaphore_mem>>)
    %dma_wait3A_17 = arith.constant 0 : i32
    %dma_wait3A_18 = arith.constant 0 : i32
    %dma_wait3A_19 = tpu.memref_slice %arg2[%dma_wait3A_17, %dma_wait3A_18] : memref<6144x768xf32, #tpu.memory_space<hbm>> -> memref<6144x768xf32, #tpu.memory_space<hbm>>
    tpu.wait_indirect_dma semaphore(%arg10 : memref<!tpu.dma_semaphore, #tpu.memory_space<semaphore_mem>>) src(%dma_wait3A_19 : memref<6144x768xf32, #tpu.memory_space<hbm>>) dst(%arg8 : memref<64x768xf32, #tpu.memory_space<vmem>>)
    %dma_start3A_20 = arith.constant 0 : i32
    %dma_start3A_21 = tpu.memref_slice %arg4[%mul3A_2, %dma_start3A_20] : memref<2048x768xf32, #tpu.memory_space<hbm>> -> memref<64x768xf32, #tpu.memory_space<hbm>>
    %dma_start3A_22 = arith.constant 0 : i32
    %dma_start3A_23 = tpu.memref_slice %arg4[%mul3A_2, %dma_start3A_22] : memref<2048x768xf32, #tpu.memory_space<hbm>> -> memref<64x768xf32, #tpu.memory_space<hbm>>
    tpu.enqueue_dma source(%arg8 : memref<64x768xf32, #tpu.memory_space<vmem>>) target(%dma_start3A_23 : memref<64x768xf32, #tpu.memory_space<hbm>>) target_semaphore(%arg10 : memref<!tpu.dma_semaphore, #tpu.memory_space<semaphore_mem>>)
    %dma_wait3A_24 = arith.constant 0 : i32
    %dma_wait3A_25 = arith.constant 0 : i32
    %dma_wait3A_26 = tpu.memref_slice %arg2[%dma_wait3A_24, %dma_wait3A_25] : memref<6144x768xf32, #tpu.memory_space<hbm>> -> memref<6144x768xf32, #tpu.memory_space<hbm>>
    tpu.wait_indirect_dma semaphore(%arg11 : memref<!tpu.dma_semaphore, #tpu.memory_space<semaphore_mem>>) src(%dma_wait3A_26 : memref<6144x768xf32, #tpu.memory_space<hbm>>) dst(%arg9 : memref<64x768xf32, #tpu.memory_space<vmem>>)
    %dma_start3A_27 = arith.constant 0 : i32
    %dma_start3A_28 = tpu.memref_slice %arg5[%mul3A_2, %dma_start3A_27] : memref<2048x768xf32, #tpu.memory_space<hbm>> -> memref<64x768xf32, #tpu.memory_space<hbm>>
    %dma_start3A_29 = arith.constant 0 : i32
    %dma_start3A_30 = tpu.memref_slice %arg5[%mul3A_2, %dma_start3A_29] : memref<2048x768xf32, #tpu.memory_space<hbm>> -> memref<64x768xf32, #tpu.memory_space<hbm>>
    tpu.enqueue_dma source(%arg9 : memref<64x768xf32, #tpu.memory_space<vmem>>) target(%dma_start3A_30 : memref<64x768xf32, #tpu.memory_space<hbm>>) target_semaphore(%arg11 : memref<!tpu.dma_semaphore, #tpu.memory_space<semaphore_mem>>)
    %dma_wait3A_31 = arith.constant 0 : i32
    %dma_wait3A_32 = tpu.memref_slice %arg4[%mul3A_2, %dma_wait3A_31] : memref<2048x768xf32, #tpu.memory_space<hbm>> -> memref<64x768xf32, #tpu.memory_space<hbm>>
    %dma_wait3A_33 = arith.constant 0 : i32
    %dma_wait3A_34 = tpu.memref_slice %arg4[%mul3A_2, %dma_wait3A_33] : memref<2048x768xf32, #tpu.memory_space<hbm>> -> memref<64x768xf32, #tpu.memory_space<hbm>>
    tpu.wait_dma2 semaphore(%arg10 : memref<!tpu.dma_semaphore, #tpu.memory_space<semaphore_mem>>) src(%arg8 : memref<64x768xf32, #tpu.memory_space<vmem>>) dst(%dma_wait3A_34 : memref<64x768xf32, #tpu.memory_space<hbm>>)
    %dma_wait3A_35 = arith.constant 0 : i32
    %dma_wait3A_36 = tpu.memref_slice %arg5[%mul3A_2, %dma_wait3A_35] : memref<2048x768xf32, #tpu.memory_space<hbm>> -> memref<64x768xf32, #tpu.memory_space<hbm>>
    %dma_wait3A_37 = arith.constant 0 : i32
    %dma_wait3A_38 = tpu.memref_slice %arg5[%mul3A_2, %dma_wait3A_37] : memref<2048x768xf32, #tpu.memory_space<hbm>> -> memref<64x768xf32, #tpu.memory_space<hbm>>
    tpu.wait_dma2 semaphore(%arg11 : memref<!tpu.dma_semaphore, #tpu.memory_space<semaphore_mem>>) src(%arg9 : memref<64x768xf32, #tpu.memory_space<vmem>>) dst(%dma_wait3A_38 : memref<64x768xf32, #tpu.memory_space<hbm>>)
    return
  }
}

#map = affine_map<(d0, d1) -> (0, 0)>
#map1 = affine_map<(d0, d1) -> (0)>
module attributes {stable_mosaic.version = 14 : i64} {
  func.func @k(%arg0: i32, %arg1: i32, %arg2: memref<2048x768xf32, #tpu.memory_space<hbm>>, %arg3: memref<4096xi32, #tpu.memory_space<hbm>>, %arg4: memref<6144x768xf32, #tpu.memory_space<hbm>>, %arg5: memref<2x64xi32, #tpu.memory_space<vmem>>, %arg6: memref<2x64x768xf32, #tpu.memory_space<vmem>>, %arg7: memref<2x!tpu.dma_semaphore, #tpu.memory_space<semaphore_mem>>, %arg8: memref<2x!tpu.dma_semaphore, #tpu.memory_space<semaphore_mem>>) attributes {dimension_semantics = [#tpu.dimension_semantics<core_parallel>, #tpu.dimension_semantics<subcore_parallel>], iteration_bounds = array<i64: 2, 16>, scalar_prefetch = 0 : i64, scratch_operands = 4 : i64, tpu.core_type = #tpu.core_type<sc_vector_subcore>, window_params = [{transform_indices = #map}, {transform_indices = #map1}, {transform_indices = #map}]} {
    %mul3A = arith.constant 2 : i32
    %mul3A_0 = arith.muli %arg1, %mul3A : i32
    %add3A = arith.addi %mul3A_0, %arg0 : i32
    %mul3A_1 = arith.constant 128 : i32
    %mul3A_2 = arith.muli %add3A, %mul3A_1 : i32
    %rem3A = arith.constant 2048 : i32
    %rem3A_3 = arith.remsi %mul3A_2, %rem3A : i32
    %add3A_4 = arith.constant 64 : i32
    %add3A_5 = arith.addi %rem3A_3, %add3A_4 : i32
    %dma_start3A = arith.constant 0 : i32
    %dma_start3A_6 = arith.constant 0 : i32
    %dma_start3A_7 = arith.constant 0 : i32
    %dma_start3A_8 = arith.constant 0 : i32
    %dma_start3A_9 = tpu.memref_slice %arg6[%dma_start3A, %dma_start3A_7, %dma_start3A_8] : memref<2x64x768xf32, #tpu.memory_space<vmem>> -> memref<1x64x768xf32, #tpu.memory_space<vmem>>
    %dma_start3A_10 = tpu.memref_squeeze %dma_start3A_9 : memref<1x64x768xf32, #tpu.memory_space<vmem>> -> memref<64x768xf32, #tpu.memory_space<vmem>>
    %dma_start3A_11 = arith.constant 0 : i32
    %dma_start3A_12 = tpu.memref_slice %arg2[%rem3A_3, %dma_start3A_11] : memref<2048x768xf32, #tpu.memory_space<hbm>> -> memref<64x768xf32, #tpu.memory_space<hbm>>
    %dma_start3A_13 = tpu.memref_slice %arg7[%dma_start3A_6] : memref<2x!tpu.dma_semaphore, #tpu.memory_space<semaphore_mem>> -> memref<1x!tpu.dma_semaphore, #tpu.memory_space<semaphore_mem>>
    %dma_start3A_14 = tpu.memref_squeeze %dma_start3A_13 : memref<1x!tpu.dma_semaphore, #tpu.memory_space<semaphore_mem>> -> memref<!tpu.dma_semaphore, #tpu.memory_space<semaphore_mem>>
    %dma_start3A_15 = arith.constant 0 : i32
    %dma_start3A_16 = arith.constant 0 : i32
    %dma_start3A_17 = tpu.memref_slice %arg6[%dma_start3A, %dma_start3A_15, %dma_start3A_16] : memref<2x64x768xf32, #tpu.memory_space<vmem>> -> memref<1x64x768xf32, #tpu.memory_space<vmem>>
    %dma_start3A_18 = tpu.memref_squeeze %dma_start3A_17 : memref<1x64x768xf32, #tpu.memory_space<vmem>> -> memref<64x768xf32, #tpu.memory_space<vmem>>
    %dma_start3A_19 = arith.constant 0 : i32
    %dma_start3A_20 = tpu.memref_slice %arg2[%rem3A_3, %dma_start3A_19] : memref<2048x768xf32, #tpu.memory_space<hbm>> -> memref<64x768xf32, #tpu.memory_space<hbm>>
    tpu.enqueue_dma source(%dma_start3A_20 : memref<64x768xf32, #tpu.memory_space<hbm>>) target(%dma_start3A_18 : memref<64x768xf32, #tpu.memory_space<vmem>>) target_semaphore(%dma_start3A_14 : memref<!tpu.dma_semaphore, #tpu.memory_space<semaphore_mem>>)
    %dma_start3A_21 = arith.constant 1 : i32
    %dma_start3A_22 = arith.constant 1 : i32
    %dma_start3A_23 = arith.constant 0 : i32
    %dma_start3A_24 = arith.constant 0 : i32
    %dma_start3A_25 = tpu.memref_slice %arg6[%dma_start3A_21, %dma_start3A_23, %dma_start3A_24] : memref<2x64x768xf32, #tpu.memory_space<vmem>> -> memref<1x64x768xf32, #tpu.memory_space<vmem>>
    %dma_start3A_26 = tpu.memref_squeeze %dma_start3A_25 : memref<1x64x768xf32, #tpu.memory_space<vmem>> -> memref<64x768xf32, #tpu.memory_space<vmem>>
    %dma_start3A_27 = arith.constant 0 : i32
    %dma_start3A_28 = tpu.memref_slice %arg2[%add3A_5, %dma_start3A_27] : memref<2048x768xf32, #tpu.memory_space<hbm>> -> memref<64x768xf32, #tpu.memory_space<hbm>>
    %dma_start3A_29 = tpu.memref_slice %arg7[%dma_start3A_22] : memref<2x!tpu.dma_semaphore, #tpu.memory_space<semaphore_mem>> -> memref<1x!tpu.dma_semaphore, #tpu.memory_space<semaphore_mem>>
    %dma_start3A_30 = tpu.memref_squeeze %dma_start3A_29 : memref<1x!tpu.dma_semaphore, #tpu.memory_space<semaphore_mem>> -> memref<!tpu.dma_semaphore, #tpu.memory_space<semaphore_mem>>
    %dma_start3A_31 = arith.constant 0 : i32
    %dma_start3A_32 = arith.constant 0 : i32
    %dma_start3A_33 = tpu.memref_slice %arg6[%dma_start3A_21, %dma_start3A_31, %dma_start3A_32] : memref<2x64x768xf32, #tpu.memory_space<vmem>> -> memref<1x64x768xf32, #tpu.memory_space<vmem>>
    %dma_start3A_34 = tpu.memref_squeeze %dma_start3A_33 : memref<1x64x768xf32, #tpu.memory_space<vmem>> -> memref<64x768xf32, #tpu.memory_space<vmem>>
    %dma_start3A_35 = arith.constant 0 : i32
    %dma_start3A_36 = tpu.memref_slice %arg2[%add3A_5, %dma_start3A_35] : memref<2048x768xf32, #tpu.memory_space<hbm>> -> memref<64x768xf32, #tpu.memory_space<hbm>>
    tpu.enqueue_dma source(%dma_start3A_36 : memref<64x768xf32, #tpu.memory_space<hbm>>) target(%dma_start3A_34 : memref<64x768xf32, #tpu.memory_space<vmem>>) target_semaphore(%dma_start3A_30 : memref<!tpu.dma_semaphore, #tpu.memory_space<semaphore_mem>>)
    %run_scoped3A = arith.constant 0 : i32
    "tpu.region"() ({
      %run_scoped3A_131 = tpu.sem_alloc : memref<!tpu.dma_semaphore, #tpu.memory_space<semaphore_mem>>
      %dma_start3A_132 = arith.constant 0 : i32
      %dma_start3A_133 = tpu.memref_slice %arg5[%run_scoped3A, %dma_start3A_132] : memref<2x64xi32, #tpu.memory_space<vmem>> -> memref<1x64xi32, #tpu.memory_space<vmem>>
      %dma_start3A_134 = tpu.memref_squeeze %dma_start3A_133 : memref<1x64xi32, #tpu.memory_space<vmem>> -> memref<64xi32, #tpu.memory_space<vmem>>
      %dma_start3A_135 = tpu.memref_slice %arg3[%mul3A_2] : memref<4096xi32, #tpu.memory_space<hbm>> -> memref<64xi32, #tpu.memory_space<hbm>>
      %dma_start3A_136 = arith.constant 0 : i32
      %dma_start3A_137 = tpu.memref_slice %arg5[%run_scoped3A, %dma_start3A_136] : memref<2x64xi32, #tpu.memory_space<vmem>> -> memref<1x64xi32, #tpu.memory_space<vmem>>
      %dma_start3A_138 = tpu.memref_squeeze %dma_start3A_137 : memref<1x64xi32, #tpu.memory_space<vmem>> -> memref<64xi32, #tpu.memory_space<vmem>>
      %dma_start3A_139 = tpu.memref_slice %arg3[%mul3A_2] : memref<4096xi32, #tpu.memory_space<hbm>> -> memref<64xi32, #tpu.memory_space<hbm>>
      tpu.enqueue_dma source(%dma_start3A_139 : memref<64xi32, #tpu.memory_space<hbm>>) target(%dma_start3A_138 : memref<64xi32, #tpu.memory_space<vmem>>) target_semaphore(%run_scoped3A_131 : memref<!tpu.dma_semaphore, #tpu.memory_space<semaphore_mem>>)
      %dma_wait3A_140 = arith.constant 0 : i32
      %dma_wait3A_141 = tpu.memref_slice %arg5[%run_scoped3A, %dma_wait3A_140] : memref<2x64xi32, #tpu.memory_space<vmem>> -> memref<1x64xi32, #tpu.memory_space<vmem>>
      %dma_wait3A_142 = tpu.memref_squeeze %dma_wait3A_141 : memref<1x64xi32, #tpu.memory_space<vmem>> -> memref<64xi32, #tpu.memory_space<vmem>>
      %dma_wait3A_143 = tpu.memref_slice %arg3[%mul3A_2] : memref<4096xi32, #tpu.memory_space<hbm>> -> memref<64xi32, #tpu.memory_space<hbm>>
      %dma_wait3A_144 = arith.constant 0 : i32
      %dma_wait3A_145 = tpu.memref_slice %arg5[%run_scoped3A, %dma_wait3A_144] : memref<2x64xi32, #tpu.memory_space<vmem>> -> memref<1x64xi32, #tpu.memory_space<vmem>>
      %dma_wait3A_146 = tpu.memref_squeeze %dma_wait3A_145 : memref<1x64xi32, #tpu.memory_space<vmem>> -> memref<64xi32, #tpu.memory_space<vmem>>
      %dma_wait3A_147 = tpu.memref_slice %arg3[%mul3A_2] : memref<4096xi32, #tpu.memory_space<hbm>> -> memref<64xi32, #tpu.memory_space<hbm>>
      tpu.wait_dma2 semaphore(%run_scoped3A_131 : memref<!tpu.dma_semaphore, #tpu.memory_space<semaphore_mem>>) src(%dma_wait3A_147 : memref<64xi32, #tpu.memory_space<hbm>>) dst(%dma_wait3A_146 : memref<64xi32, #tpu.memory_space<vmem>>)
      tpu.yield
    }) : () -> ()
    %add3A_37 = arith.constant 64 : i32
    %add3A_38 = arith.addi %mul3A_2, %add3A_37 : i32
    %run_scoped3A_39 = arith.constant 1 : i32
    "tpu.region"() ({
      %run_scoped3A_131 = tpu.sem_alloc : memref<!tpu.dma_semaphore, #tpu.memory_space<semaphore_mem>>
      %dma_start3A_132 = arith.constant 0 : i32
      %dma_start3A_133 = tpu.memref_slice %arg5[%run_scoped3A_39, %dma_start3A_132] : memref<2x64xi32, #tpu.memory_space<vmem>> -> memref<1x64xi32, #tpu.memory_space<vmem>>
      %dma_start3A_134 = tpu.memref_squeeze %dma_start3A_133 : memref<1x64xi32, #tpu.memory_space<vmem>> -> memref<64xi32, #tpu.memory_space<vmem>>
      %dma_start3A_135 = tpu.memref_slice %arg3[%add3A_38] : memref<4096xi32, #tpu.memory_space<hbm>> -> memref<64xi32, #tpu.memory_space<hbm>>
      %dma_start3A_136 = arith.constant 0 : i32
      %dma_start3A_137 = tpu.memref_slice %arg5[%run_scoped3A_39, %dma_start3A_136] : memref<2x64xi32, #tpu.memory_space<vmem>> -> memref<1x64xi32, #tpu.memory_space<vmem>>
      %dma_start3A_138 = tpu.memref_squeeze %dma_start3A_137 : memref<1x64xi32, #tpu.memory_space<vmem>> -> memref<64xi32, #tpu.memory_space<vmem>>
      %dma_start3A_139 = tpu.memref_slice %arg3[%add3A_38] : memref<4096xi32, #tpu.memory_space<hbm>> -> memref<64xi32, #tpu.memory_space<hbm>>
      tpu.enqueue_dma source(%dma_start3A_139 : memref<64xi32, #tpu.memory_space<hbm>>) target(%dma_start3A_138 : memref<64xi32, #tpu.memory_space<vmem>>) target_semaphore(%run_scoped3A_131 : memref<!tpu.dma_semaphore, #tpu.memory_space<semaphore_mem>>)
      %dma_wait3A_140 = arith.constant 0 : i32
      %dma_wait3A_141 = tpu.memref_slice %arg5[%run_scoped3A_39, %dma_wait3A_140] : memref<2x64xi32, #tpu.memory_space<vmem>> -> memref<1x64xi32, #tpu.memory_space<vmem>>
      %dma_wait3A_142 = tpu.memref_squeeze %dma_wait3A_141 : memref<1x64xi32, #tpu.memory_space<vmem>> -> memref<64xi32, #tpu.memory_space<vmem>>
      %dma_wait3A_143 = tpu.memref_slice %arg3[%add3A_38] : memref<4096xi32, #tpu.memory_space<hbm>> -> memref<64xi32, #tpu.memory_space<hbm>>
      %dma_wait3A_144 = arith.constant 0 : i32
      %dma_wait3A_145 = tpu.memref_slice %arg5[%run_scoped3A_39, %dma_wait3A_144] : memref<2x64xi32, #tpu.memory_space<vmem>> -> memref<1x64xi32, #tpu.memory_space<vmem>>
      %dma_wait3A_146 = tpu.memref_squeeze %dma_wait3A_145 : memref<1x64xi32, #tpu.memory_space<vmem>> -> memref<64xi32, #tpu.memory_space<vmem>>
      %dma_wait3A_147 = tpu.memref_slice %arg3[%add3A_38] : memref<4096xi32, #tpu.memory_space<hbm>> -> memref<64xi32, #tpu.memory_space<hbm>>
      tpu.wait_dma2 semaphore(%run_scoped3A_131 : memref<!tpu.dma_semaphore, #tpu.memory_space<semaphore_mem>>) src(%dma_wait3A_147 : memref<64xi32, #tpu.memory_space<hbm>>) dst(%dma_wait3A_146 : memref<64xi32, #tpu.memory_space<vmem>>)
      tpu.yield
    }) : () -> ()
    %dma_wait3A = arith.constant 0 : i32
    %dma_wait3A_40 = arith.constant 0 : i32
    %dma_wait3A_41 = arith.constant 0 : i32
    %dma_wait3A_42 = arith.constant 0 : i32
    %dma_wait3A_43 = tpu.memref_slice %arg6[%dma_wait3A, %dma_wait3A_41, %dma_wait3A_42] : memref<2x64x768xf32, #tpu.memory_space<vmem>> -> memref<1x64x768xf32, #tpu.memory_space<vmem>>
    %dma_wait3A_44 = tpu.memref_squeeze %dma_wait3A_43 : memref<1x64x768xf32, #tpu.memory_space<vmem>> -> memref<64x768xf32, #tpu.memory_space<vmem>>
    %dma_wait3A_45 = arith.constant 0 : i32
    %dma_wait3A_46 = tpu.memref_slice %arg2[%rem3A_3, %dma_wait3A_45] : memref<2048x768xf32, #tpu.memory_space<hbm>> -> memref<64x768xf32, #tpu.memory_space<hbm>>
    %dma_wait3A_47 = tpu.memref_slice %arg7[%dma_wait3A_40] : memref<2x!tpu.dma_semaphore, #tpu.memory_space<semaphore_mem>> -> memref<1x!tpu.dma_semaphore, #tpu.memory_space<semaphore_mem>>
    %dma_wait3A_48 = tpu.memref_squeeze %dma_wait3A_47 : memref<1x!tpu.dma_semaphore, #tpu.memory_space<semaphore_mem>> -> memref<!tpu.dma_semaphore, #tpu.memory_space<semaphore_mem>>
    %dma_wait3A_49 = arith.constant 0 : i32
    %dma_wait3A_50 = arith.constant 0 : i32
    %dma_wait3A_51 = tpu.memref_slice %arg6[%dma_wait3A, %dma_wait3A_49, %dma_wait3A_50] : memref<2x64x768xf32, #tpu.memory_space<vmem>> -> memref<1x64x768xf32, #tpu.memory_space<vmem>>
    %dma_wait3A_52 = tpu.memref_squeeze %dma_wait3A_51 : memref<1x64x768xf32, #tpu.memory_space<vmem>> -> memref<64x768xf32, #tpu.memory_space<vmem>>
    %dma_wait3A_53 = arith.constant 0 : i32
    %dma_wait3A_54 = tpu.memref_slice %arg2[%rem3A_3, %dma_wait3A_53] : memref<2048x768xf32, #tpu.memory_space<hbm>> -> memref<64x768xf32, #tpu.memory_space<hbm>>
    tpu.wait_dma2 semaphore(%dma_wait3A_48 : memref<!tpu.dma_semaphore, #tpu.memory_space<semaphore_mem>>) src(%dma_wait3A_54 : memref<64x768xf32, #tpu.memory_space<hbm>>) dst(%dma_wait3A_52 : memref<64x768xf32, #tpu.memory_space<vmem>>)
    %dma_start3A_55 = arith.constant 0 : i32
    %dma_start3A_56 = arith.constant 0 : i32
    %dma_start3A_57 = arith.constant 0 : i32
    %dma_start3A_58 = arith.constant 0 : i32
    %dma_start3A_59 = arith.constant 0 : i32
    %dma_start3A_60 = tpu.memref_slice %arg6[%dma_start3A_55, %dma_start3A_58, %dma_start3A_59] : memref<2x64x768xf32, #tpu.memory_space<vmem>> -> memref<1x64x768xf32, #tpu.memory_space<vmem>>
    %dma_start3A_61 = tpu.memref_squeeze %dma_start3A_60 : memref<1x64x768xf32, #tpu.memory_space<vmem>> -> memref<64x768xf32, #tpu.memory_space<vmem>>
    %dma_start3A_62 = arith.constant 0 : i32
    %dma_start3A_63 = tpu.memref_slice %arg5[%dma_start3A_56, %dma_start3A_62] : memref<2x64xi32, #tpu.memory_space<vmem>> -> memref<1x64xi32, #tpu.memory_space<vmem>>
    %dma_start3A_64 = tpu.memref_squeeze %dma_start3A_63 : memref<1x64xi32, #tpu.memory_space<vmem>> -> memref<64xi32, #tpu.memory_space<vmem>>
    %dma_start3A_65 = arith.constant 0 : i32
    %dma_start3A_66 = arith.constant 0 : i32
    %dma_start3A_67 = tpu.memref_slice %arg4[%dma_start3A_65, %dma_start3A_66] : memref<6144x768xf32, #tpu.memory_space<hbm>> -> memref<6144x768xf32, #tpu.memory_space<hbm>>
    %dma_start3A_68 = tpu.memref_slice %arg8[%dma_start3A_57] : memref<2x!tpu.dma_semaphore, #tpu.memory_space<semaphore_mem>> -> memref<1x!tpu.dma_semaphore, #tpu.memory_space<semaphore_mem>>
    %dma_start3A_69 = tpu.memref_squeeze %dma_start3A_68 : memref<1x!tpu.dma_semaphore, #tpu.memory_space<semaphore_mem>> -> memref<!tpu.dma_semaphore, #tpu.memory_space<semaphore_mem>>
    tpu.enqueue_indirect_dma source(%dma_start3A_61 : memref<64x768xf32, #tpu.memory_space<vmem>>) target(%dma_start3A_67 : memref<6144x768xf32, #tpu.memory_space<hbm>>) offsets(%dma_start3A_64 : memref<64xi32, #tpu.memory_space<vmem>>) semaphore(%dma_start3A_69 : memref<!tpu.dma_semaphore, #tpu.memory_space<semaphore_mem>>)
    %dma_wait3A_70 = arith.constant 1 : i32
    %dma_wait3A_71 = arith.constant 1 : i32
    %dma_wait3A_72 = arith.constant 0 : i32
    %dma_wait3A_73 = arith.constant 0 : i32
    %dma_wait3A_74 = tpu.memref_slice %arg6[%dma_wait3A_70, %dma_wait3A_72, %dma_wait3A_73] : memref<2x64x768xf32, #tpu.memory_space<vmem>> -> memref<1x64x768xf32, #tpu.memory_space<vmem>>
    %dma_wait3A_75 = tpu.memref_squeeze %dma_wait3A_74 : memref<1x64x768xf32, #tpu.memory_space<vmem>> -> memref<64x768xf32, #tpu.memory_space<vmem>>
    %dma_wait3A_76 = arith.constant 0 : i32
    %dma_wait3A_77 = tpu.memref_slice %arg2[%add3A_5, %dma_wait3A_76] : memref<2048x768xf32, #tpu.memory_space<hbm>> -> memref<64x768xf32, #tpu.memory_space<hbm>>
    %dma_wait3A_78 = tpu.memref_slice %arg7[%dma_wait3A_71] : memref<2x!tpu.dma_semaphore, #tpu.memory_space<semaphore_mem>> -> memref<1x!tpu.dma_semaphore, #tpu.memory_space<semaphore_mem>>
    %dma_wait3A_79 = tpu.memref_squeeze %dma_wait3A_78 : memref<1x!tpu.dma_semaphore, #tpu.memory_space<semaphore_mem>> -> memref<!tpu.dma_semaphore, #tpu.memory_space<semaphore_mem>>
    %dma_wait3A_80 = arith.constant 0 : i32
    %dma_wait3A_81 = arith.constant 0 : i32
    %dma_wait3A_82 = tpu.memref_slice %arg6[%dma_wait3A_70, %dma_wait3A_80, %dma_wait3A_81] : memref<2x64x768xf32, #tpu.memory_space<vmem>> -> memref<1x64x768xf32, #tpu.memory_space<vmem>>
    %dma_wait3A_83 = tpu.memref_squeeze %dma_wait3A_82 : memref<1x64x768xf32, #tpu.memory_space<vmem>> -> memref<64x768xf32, #tpu.memory_space<vmem>>
    %dma_wait3A_84 = arith.constant 0 : i32
    %dma_wait3A_85 = tpu.memref_slice %arg2[%add3A_5, %dma_wait3A_84] : memref<2048x768xf32, #tpu.memory_space<hbm>> -> memref<64x768xf32, #tpu.memory_space<hbm>>
    tpu.wait_dma2 semaphore(%dma_wait3A_79 : memref<!tpu.dma_semaphore, #tpu.memory_space<semaphore_mem>>) src(%dma_wait3A_85 : memref<64x768xf32, #tpu.memory_space<hbm>>) dst(%dma_wait3A_83 : memref<64x768xf32, #tpu.memory_space<vmem>>)
    %dma_start3A_86 = arith.constant 1 : i32
    %dma_start3A_87 = arith.constant 1 : i32
    %dma_start3A_88 = arith.constant 1 : i32
    %dma_start3A_89 = arith.constant 0 : i32
    %dma_start3A_90 = arith.constant 0 : i32
    %dma_start3A_91 = tpu.memref_slice %arg6[%dma_start3A_86, %dma_start3A_89, %dma_start3A_90] : memref<2x64x768xf32, #tpu.memory_space<vmem>> -> memref<1x64x768xf32, #tpu.memory_space<vmem>>
    %dma_start3A_92 = tpu.memref_squeeze %dma_start3A_91 : memref<1x64x768xf32, #tpu.memory_space<vmem>> -> memref<64x768xf32, #tpu.memory_space<vmem>>
    %dma_start3A_93 = arith.constant 0 : i32
    %dma_start3A_94 = tpu.memref_slice %arg5[%dma_start3A_87, %dma_start3A_93] : memref<2x64xi32, #tpu.memory_space<vmem>> -> memref<1x64xi32, #tpu.memory_space<vmem>>
    %dma_start3A_95 = tpu.memref_squeeze %dma_start3A_94 : memref<1x64xi32, #tpu.memory_space<vmem>> -> memref<64xi32, #tpu.memory_space<vmem>>
    %dma_start3A_96 = arith.constant 0 : i32
    %dma_start3A_97 = arith.constant 0 : i32
    %dma_start3A_98 = tpu.memref_slice %arg4[%dma_start3A_96, %dma_start3A_97] : memref<6144x768xf32, #tpu.memory_space<hbm>> -> memref<6144x768xf32, #tpu.memory_space<hbm>>
    %dma_start3A_99 = tpu.memref_slice %arg8[%dma_start3A_88] : memref<2x!tpu.dma_semaphore, #tpu.memory_space<semaphore_mem>> -> memref<1x!tpu.dma_semaphore, #tpu.memory_space<semaphore_mem>>
    %dma_start3A_100 = tpu.memref_squeeze %dma_start3A_99 : memref<1x!tpu.dma_semaphore, #tpu.memory_space<semaphore_mem>> -> memref<!tpu.dma_semaphore, #tpu.memory_space<semaphore_mem>>
    tpu.enqueue_indirect_dma source(%dma_start3A_92 : memref<64x768xf32, #tpu.memory_space<vmem>>) target(%dma_start3A_98 : memref<6144x768xf32, #tpu.memory_space<hbm>>) offsets(%dma_start3A_95 : memref<64xi32, #tpu.memory_space<vmem>>) semaphore(%dma_start3A_100 : memref<!tpu.dma_semaphore, #tpu.memory_space<semaphore_mem>>)
    %dma_wait3A_101 = arith.constant 0 : i32
    %dma_wait3A_102 = arith.constant 0 : i32
    %dma_wait3A_103 = arith.constant 0 : i32
    %dma_wait3A_104 = arith.constant 0 : i32
    %dma_wait3A_105 = arith.constant 0 : i32
    %dma_wait3A_106 = tpu.memref_slice %arg6[%dma_wait3A_101, %dma_wait3A_104, %dma_wait3A_105] : memref<2x64x768xf32, #tpu.memory_space<vmem>> -> memref<1x64x768xf32, #tpu.memory_space<vmem>>
    %dma_wait3A_107 = tpu.memref_squeeze %dma_wait3A_106 : memref<1x64x768xf32, #tpu.memory_space<vmem>> -> memref<64x768xf32, #tpu.memory_space<vmem>>
    %dma_wait3A_108 = arith.constant 0 : i32
    %dma_wait3A_109 = tpu.memref_slice %arg5[%dma_wait3A_102, %dma_wait3A_108] : memref<2x64xi32, #tpu.memory_space<vmem>> -> memref<1x64xi32, #tpu.memory_space<vmem>>
    %dma_wait3A_110 = tpu.memref_squeeze %dma_wait3A_109 : memref<1x64xi32, #tpu.memory_space<vmem>> -> memref<64xi32, #tpu.memory_space<vmem>>
    %dma_wait3A_111 = arith.constant 0 : i32
    %dma_wait3A_112 = arith.constant 0 : i32
    %dma_wait3A_113 = tpu.memref_slice %arg4[%dma_wait3A_111, %dma_wait3A_112] : memref<6144x768xf32, #tpu.memory_space<hbm>> -> memref<6144x768xf32, #tpu.memory_space<hbm>>
    %dma_wait3A_114 = tpu.memref_slice %arg8[%dma_wait3A_103] : memref<2x!tpu.dma_semaphore, #tpu.memory_space<semaphore_mem>> -> memref<1x!tpu.dma_semaphore, #tpu.memory_space<semaphore_mem>>
    %dma_wait3A_115 = tpu.memref_squeeze %dma_wait3A_114 : memref<1x!tpu.dma_semaphore, #tpu.memory_space<semaphore_mem>> -> memref<!tpu.dma_semaphore, #tpu.memory_space<semaphore_mem>>
    tpu.wait_indirect_dma semaphore(%dma_wait3A_115 : memref<!tpu.dma_semaphore, #tpu.memory_space<semaphore_mem>>) src(%dma_wait3A_107 : memref<64x768xf32, #tpu.memory_space<vmem>>) dst(%dma_wait3A_113 : memref<6144x768xf32, #tpu.memory_space<hbm>>)
    %dma_wait3A_116 = arith.constant 1 : i32
    %dma_wait3A_117 = arith.constant 1 : i32
    %dma_wait3A_118 = arith.constant 1 : i32
    %dma_wait3A_119 = arith.constant 0 : i32
    %dma_wait3A_120 = arith.constant 0 : i32
    %dma_wait3A_121 = tpu.memref_slice %arg6[%dma_wait3A_116, %dma_wait3A_119, %dma_wait3A_120] : memref<2x64x768xf32, #tpu.memory_space<vmem>> -> memref<1x64x768xf32, #tpu.memory_space<vmem>>
    %dma_wait3A_122 = tpu.memref_squeeze %dma_wait3A_121 : memref<1x64x768xf32, #tpu.memory_space<vmem>> -> memref<64x768xf32, #tpu.memory_space<vmem>>
    %dma_wait3A_123 = arith.constant 0 : i32
    %dma_wait3A_124 = tpu.memref_slice %arg5[%dma_wait3A_117, %dma_wait3A_123] : memref<2x64xi32, #tpu.memory_space<vmem>> -> memref<1x64xi32, #tpu.memory_space<vmem>>
    %dma_wait3A_125 = tpu.memref_squeeze %dma_wait3A_124 : memref<1x64xi32, #tpu.memory_space<vmem>> -> memref<64xi32, #tpu.memory_space<vmem>>
    %dma_wait3A_126 = arith.constant 0 : i32
    %dma_wait3A_127 = arith.constant 0 : i32
    %dma_wait3A_128 = tpu.memref_slice %arg4[%dma_wait3A_126, %dma_wait3A_127] : memref<6144x768xf32, #tpu.memory_space<hbm>> -> memref<6144x768xf32, #tpu.memory_space<hbm>>
    %dma_wait3A_129 = tpu.memref_slice %arg8[%dma_wait3A_118] : memref<2x!tpu.dma_semaphore, #tpu.memory_space<semaphore_mem>> -> memref<1x!tpu.dma_semaphore, #tpu.memory_space<semaphore_mem>>
    %dma_wait3A_130 = tpu.memref_squeeze %dma_wait3A_129 : memref<1x!tpu.dma_semaphore, #tpu.memory_space<semaphore_mem>> -> memref<!tpu.dma_semaphore, #tpu.memory_space<semaphore_mem>>
    tpu.wait_indirect_dma semaphore(%dma_wait3A_130 : memref<!tpu.dma_semaphore, #tpu.memory_space<semaphore_mem>>) src(%dma_wait3A_122 : memref<64x768xf32, #tpu.memory_space<vmem>>) dst(%dma_wait3A_128 : memref<6144x768xf32, #tpu.memory_space<hbm>>)
    return
  }
}

module attributes {stable_mosaic.version = 14 : i64} {
  func.func @_gate_body(%arg0: memref<2048x768xf32, #tpu.memory_space<vmem>>, %arg1: memref<8x768xf32, #tpu.memory_space<vmem>>, %arg2: memref<4096x1xi32, #tpu.memory_space<vmem>>, %arg3: memref<4096x1xf32, #tpu.memory_space<vmem>>, %arg4: memref<24x1xi32, #tpu.memory_space<vmem>>, %arg5: memref<24x1xi32, #tpu.memory_space<vmem>>, %arg6: memref<8x1xi32, #tpu.memory_space<vmem>>, %arg7: memref<1x1xi32, #tpu.memory_space<vmem>>, %arg8: memref<24x1xi32, #tpu.memory_space<vmem>>, %arg9: memref<24x1xi32, #tpu.memory_space<vmem>>) attributes {dimension_semantics = [], scalar_prefetch = 0 : i64, scratch_operands = 0 : i64, tpu.core_type = #tpu.core_type<tc>} {
    %get3A = arith.constant 0 : index
    %get3A_0 = arith.constant 0 : index
    %get3A_1 = vector.load %arg0[%get3A, %get3A_0] : memref<2048x768xf32, #tpu.memory_space<vmem>>, vector<2048x768xf32>
    %get3A_2 = arith.constant 0 : index
    %get3A_3 = arith.constant 0 : index
    %get3A_4 = vector.load %arg1[%get3A_2, %get3A_3] : memref<8x768xf32, #tpu.memory_space<vmem>>, vector<8x768xf32>
    %dot_general3A = arith.constant dense<0.000000e+00> : vector<2048x8xf32>
    %dot_general3A_5 = tpu.matmul %get3A_1, %get3A_4, %dot_general3A {dimension_numbers = #tpu.dot_dimension_numbers<[1], [1], [0], [0], [0, 0, 1, 0], [], []>, transpose_lhs_hint = false} : vector<2048x768xf32>, vector<8x768xf32>, vector<2048x8xf32> -> vector<2048x8xf32>
    %iota3A = tpu.iota {dimensions = array<i32: 1>} : vector<2048x8xi32>
    %reduce_max3A = arith.constant dense<0xFF800000> : vector<2048xf32>
    %reduce_max3A_6 = vector.multi_reduction <maximumf>, %dot_general3A_5, %reduce_max3A [1] : vector<2048x8xf32> to vector<2048xf32>
    %broadcast_in_dim3A = vector.shape_cast %reduce_max3A_6 : vector<2048xf32> to vector<2048x1xf32>
    %eq3A = vector.broadcast %broadcast_in_dim3A : vector<2048x1xf32> to vector<2048x8xf32>
    %eq3A_7 = arith.cmpf oeq, %dot_general3A_5, %eq3A : vector<2048x8xf32>
    %jit3A = arith.constant 8 : i32
    %broadcast_in_dim3A_8 = vector.broadcast %jit3A : i32 to vector<2048x8xi32>
    %select_n3A = arith.select %eq3A_7, %iota3A, %broadcast_in_dim3A_8 : vector<2048x8xi1>, vector<2048x8xi32>
    %reduce_min3A = arith.constant dense<2147483647> : vector<2048xi32>
    %reduce_min3A_9 = vector.multi_reduction <minsi>, %select_n3A, %reduce_min3A [1] : vector<2048x8xi32> to vector<2048xi32>
    %broadcast_in_dim3A_10 = vector.shape_cast %reduce_min3A_9 : vector<2048xi32> to vector<2048x1xi32>
    %eq3A_11 = vector.broadcast %broadcast_in_dim3A_10 : vector<2048x1xi32> to vector<2048x8xi32>
    %eq3A_12 = arith.cmpi eq, %iota3A, %eq3A_11 : vector<2048x8xi32>
    %jit3A_13 = arith.constant 0xFF800000 : f32
    %broadcast_in_dim3A_14 = vector.broadcast %jit3A_13 : f32 to vector<2048x8xf32>
    %select_n3A_15 = arith.select %eq3A_12, %broadcast_in_dim3A_14, %dot_general3A_5 : vector<2048x8xi1>, vector<2048x8xf32>
    %reduce_max3A_16 = arith.constant dense<0xFF800000> : vector<2048xf32>
    %reduce_max3A_17 = vector.multi_reduction <maximumf>, %select_n3A_15, %reduce_max3A_16 [1] : vector<2048x8xf32> to vector<2048xf32>
    %broadcast_in_dim3A_18 = vector.shape_cast %reduce_max3A_17 : vector<2048xf32> to vector<2048x1xf32>
    %eq3A_19 = vector.broadcast %broadcast_in_dim3A_18 : vector<2048x1xf32> to vector<2048x8xf32>
    %eq3A_20 = arith.cmpf oeq, %select_n3A_15, %eq3A_19 : vector<2048x8xf32>
    %jit3A_21 = arith.constant 8 : i32
    %broadcast_in_dim3A_22 = vector.broadcast %jit3A_21 : i32 to vector<2048x8xi32>
    %select_n3A_23 = arith.select %eq3A_20, %iota3A, %broadcast_in_dim3A_22 : vector<2048x8xi1>, vector<2048x8xi32>
    %reduce_min3A_24 = arith.constant dense<2147483647> : vector<2048xi32>
    %reduce_min3A_25 = vector.multi_reduction <minsi>, %select_n3A_23, %reduce_min3A_24 [1] : vector<2048x8xi32> to vector<2048xi32>
    %broadcast_in_dim3A_26 = vector.shape_cast %reduce_min3A_25 : vector<2048xi32> to vector<2048x1xi32>
    %sub3A = arith.subf %broadcast_in_dim3A_18, %broadcast_in_dim3A : vector<2048x1xf32>
    %exp3A = math.exp %sub3A : vector<2048x1xf32>
    %add3A = arith.constant 1.000000e+00 : f32
    %add3A_27 = vector.broadcast %add3A : f32 to vector<2048x1xf32>
    %add3A_28 = arith.addf %add3A_27, %exp3A : vector<2048x1xf32>
    %div3A = arith.constant 1.000000e+00 : f32
    %div3A_29 = vector.broadcast %div3A : f32 to vector<2048x1xf32>
    %div3A_30 = arith.divf %div3A_29, %add3A_28 : vector<2048x1xf32>
    %add3A_31 = arith.constant 1.000000e+00 : f32
    %add3A_32 = vector.broadcast %add3A_31 : f32 to vector<2048x1xf32>
    %add3A_33 = arith.addf %add3A_32, %exp3A : vector<2048x1xf32>
    %div3A_34 = arith.divf %exp3A, %add3A_33 : vector<2048x1xf32>
    %eq3A_35 = vector.broadcast %broadcast_in_dim3A_10 : vector<2048x1xi32> to vector<2048x8xi32>
    %eq3A_36 = arith.cmpi eq, %iota3A, %eq3A_35 : vector<2048x8xi32>
    %convert_element_type3A = arith.extui %eq3A_36 : vector<2048x8xi1> to vector<2048x8xi32>
    %convert_element_type3A_37 = arith.sitofp %convert_element_type3A : vector<2048x8xi32> to vector<2048x8xf32>
    %eq3A_38 = vector.broadcast %broadcast_in_dim3A_26 : vector<2048x1xi32> to vector<2048x8xi32>
    %eq3A_39 = arith.cmpi eq, %iota3A, %eq3A_38 : vector<2048x8xi32>
    %convert_element_type3A_40 = arith.extui %eq3A_39 : vector<2048x8xi1> to vector<2048x8xi32>
    %convert_element_type3A_41 = arith.sitofp %convert_element_type3A_40 : vector<2048x8xi32> to vector<2048x8xf32>
    %iota3A_42 = tpu.iota {dimensions = array<i32: 0>} : vector<512x512xi32>
    %iota3A_43 = tpu.iota {dimensions = array<i32: 1>} : vector<512x512xi32>
    %gt3A = arith.cmpi sgt, %iota3A_42, %iota3A_43 : vector<512x512xi32>
    %convert_element_type3A_44 = arith.extui %gt3A : vector<512x512xi1> to vector<512x512xi32>
    %convert_element_type3A_45 = arith.sitofp %convert_element_type3A_44 : vector<512x512xi32> to vector<512x512xf32>
    %broadcast_in_dim3A_46 = arith.constant 0.000000e+00 : f32
    %broadcast_in_dim3A_47 = vector.broadcast %broadcast_in_dim3A_46 : f32 to vector<1x8xf32>
    %slice3A = vector.extract_strided_slice %convert_element_type3A_37 {offsets = [0, 0], sizes = [512, 8], strides = [1, 1]} : vector<2048x8xf32> to vector<512x8xf32>
    %dot_general3A_48 = arith.constant dense<0.000000e+00> : vector<512x8xf32>
    %dot_general3A_49 = tpu.matmul %convert_element_type3A_45, %slice3A, %dot_general3A_48 {dimension_numbers = #tpu.dot_dimension_numbers<[1], [0], [0], [1], [0, 0, 1, 1], [], []>, transpose_lhs_hint = false} : vector<512x512xf32>, vector<512x8xf32>, vector<512x8xf32> -> vector<512x8xf32>
    %add3A_50 = vector.broadcast %broadcast_in_dim3A_47 : vector<1x8xf32> to vector<512x8xf32>
    %add3A_51 = arith.addf %dot_general3A_49, %add3A_50 : vector<512x8xf32>
    %reduce_sum3A = arith.constant dense<0.000000e+00> : vector<8xf32>
    %reduce_sum3A_52 = vector.multi_reduction <add>, %slice3A, %reduce_sum3A [0] : vector<512x8xf32> to vector<8xf32>
    %broadcast_in_dim3A_53 = vector.shape_cast %reduce_sum3A_52 : vector<8xf32> to vector<1x8xf32>
    %add3A_54 = arith.addf %broadcast_in_dim3A_47, %broadcast_in_dim3A_53 : vector<1x8xf32>
    %slice3A_55 = vector.extract_strided_slice %convert_element_type3A_37 {offsets = [512, 0], sizes = [512, 8], strides = [1, 1]} : vector<2048x8xf32> to vector<512x8xf32>
    %dot_general3A_56 = arith.constant dense<0.000000e+00> : vector<512x8xf32>
    %dot_general3A_57 = tpu.matmul %convert_element_type3A_45, %slice3A_55, %dot_general3A_56 {dimension_numbers = #tpu.dot_dimension_numbers<[1], [0], [0], [1], [0, 0, 1, 1], [], []>, transpose_lhs_hint = false} : vector<512x512xf32>, vector<512x8xf32>, vector<512x8xf32> -> vector<512x8xf32>
    %add3A_58 = vector.broadcast %add3A_54 : vector<1x8xf32> to vector<512x8xf32>
    %add3A_59 = arith.addf %dot_general3A_57, %add3A_58 : vector<512x8xf32>
    %reduce_sum3A_60 = arith.constant dense<0.000000e+00> : vector<8xf32>
    %reduce_sum3A_61 = vector.multi_reduction <add>, %slice3A_55, %reduce_sum3A_60 [0] : vector<512x8xf32> to vector<8xf32>
    %broadcast_in_dim3A_62 = vector.shape_cast %reduce_sum3A_61 : vector<8xf32> to vector<1x8xf32>
    %add3A_63 = arith.addf %add3A_54, %broadcast_in_dim3A_62 : vector<1x8xf32>
    %slice3A_64 = vector.extract_strided_slice %convert_element_type3A_37 {offsets = [1024, 0], sizes = [512, 8], strides = [1, 1]} : vector<2048x8xf32> to vector<512x8xf32>
    %dot_general3A_65 = arith.constant dense<0.000000e+00> : vector<512x8xf32>
    %dot_general3A_66 = tpu.matmul %convert_element_type3A_45, %slice3A_64, %dot_general3A_65 {dimension_numbers = #tpu.dot_dimension_numbers<[1], [0], [0], [1], [0, 0, 1, 1], [], []>, transpose_lhs_hint = false} : vector<512x512xf32>, vector<512x8xf32>, vector<512x8xf32> -> vector<512x8xf32>
    %add3A_67 = vector.broadcast %add3A_63 : vector<1x8xf32> to vector<512x8xf32>
    %add3A_68 = arith.addf %dot_general3A_66, %add3A_67 : vector<512x8xf32>
    %reduce_sum3A_69 = arith.constant dense<0.000000e+00> : vector<8xf32>
    %reduce_sum3A_70 = vector.multi_reduction <add>, %slice3A_64, %reduce_sum3A_69 [0] : vector<512x8xf32> to vector<8xf32>
    %broadcast_in_dim3A_71 = vector.shape_cast %reduce_sum3A_70 : vector<8xf32> to vector<1x8xf32>
    %add3A_72 = arith.addf %add3A_63, %broadcast_in_dim3A_71 : vector<1x8xf32>
    %slice3A_73 = vector.extract_strided_slice %convert_element_type3A_37 {offsets = [1536, 0], sizes = [512, 8], strides = [1, 1]} : vector<2048x8xf32> to vector<512x8xf32>
    %dot_general3A_74 = arith.constant dense<0.000000e+00> : vector<512x8xf32>
    %dot_general3A_75 = tpu.matmul %convert_element_type3A_45, %slice3A_73, %dot_general3A_74 {dimension_numbers = #tpu.dot_dimension_numbers<[1], [0], [0], [1], [0, 0, 1, 1], [], []>, transpose_lhs_hint = false} : vector<512x512xf32>, vector<512x8xf32>, vector<512x8xf32> -> vector<512x8xf32>
    %add3A_76 = vector.broadcast %add3A_72 : vector<1x8xf32> to vector<512x8xf32>
    %add3A_77 = arith.addf %dot_general3A_75, %add3A_76 : vector<512x8xf32>
    %reduce_sum3A_78 = arith.constant dense<0.000000e+00> : vector<8xf32>
    %reduce_sum3A_79 = vector.multi_reduction <add>, %slice3A_73, %reduce_sum3A_78 [0] : vector<512x8xf32> to vector<8xf32>
    %broadcast_in_dim3A_80 = vector.shape_cast %reduce_sum3A_79 : vector<8xf32> to vector<1x8xf32>
    %add3A_81 = arith.addf %add3A_72, %broadcast_in_dim3A_80 : vector<1x8xf32>
    %slice3A_82 = vector.extract_strided_slice %convert_element_type3A_41 {offsets = [0, 0], sizes = [512, 8], strides = [1, 1]} : vector<2048x8xf32> to vector<512x8xf32>
    %dot_general3A_83 = arith.constant dense<0.000000e+00> : vector<512x8xf32>
    %dot_general3A_84 = tpu.matmul %convert_element_type3A_45, %slice3A_82, %dot_general3A_83 {dimension_numbers = #tpu.dot_dimension_numbers<[1], [0], [0], [1], [0, 0, 1, 1], [], []>, transpose_lhs_hint = false} : vector<512x512xf32>, vector<512x8xf32>, vector<512x8xf32> -> vector<512x8xf32>
    %add3A_85 = vector.broadcast %add3A_81 : vector<1x8xf32> to vector<512x8xf32>
    %add3A_86 = arith.addf %dot_general3A_84, %add3A_85 : vector<512x8xf32>
    %reduce_sum3A_87 = arith.constant dense<0.000000e+00> : vector<8xf32>
    %reduce_sum3A_88 = vector.multi_reduction <add>, %slice3A_82, %reduce_sum3A_87 [0] : vector<512x8xf32> to vector<8xf32>
    %broadcast_in_dim3A_89 = vector.shape_cast %reduce_sum3A_88 : vector<8xf32> to vector<1x8xf32>
    %add3A_90 = arith.addf %add3A_81, %broadcast_in_dim3A_89 : vector<1x8xf32>
    %slice3A_91 = vector.extract_strided_slice %convert_element_type3A_41 {offsets = [512, 0], sizes = [512, 8], strides = [1, 1]} : vector<2048x8xf32> to vector<512x8xf32>
    %dot_general3A_92 = arith.constant dense<0.000000e+00> : vector<512x8xf32>
    %dot_general3A_93 = tpu.matmul %convert_element_type3A_45, %slice3A_91, %dot_general3A_92 {dimension_numbers = #tpu.dot_dimension_numbers<[1], [0], [0], [1], [0, 0, 1, 1], [], []>, transpose_lhs_hint = false} : vector<512x512xf32>, vector<512x8xf32>, vector<512x8xf32> -> vector<512x8xf32>
    %add3A_94 = vector.broadcast %add3A_90 : vector<1x8xf32> to vector<512x8xf32>
    %add3A_95 = arith.addf %dot_general3A_93, %add3A_94 : vector<512x8xf32>
    %reduce_sum3A_96 = arith.constant dense<0.000000e+00> : vector<8xf32>
    %reduce_sum3A_97 = vector.multi_reduction <add>, %slice3A_91, %reduce_sum3A_96 [0] : vector<512x8xf32> to vector<8xf32>
    %broadcast_in_dim3A_98 = vector.shape_cast %reduce_sum3A_97 : vector<8xf32> to vector<1x8xf32>
    %add3A_99 = arith.addf %add3A_90, %broadcast_in_dim3A_98 : vector<1x8xf32>
    %slice3A_100 = vector.extract_strided_slice %convert_element_type3A_41 {offsets = [1024, 0], sizes = [512, 8], strides = [1, 1]} : vector<2048x8xf32> to vector<512x8xf32>
    %dot_general3A_101 = arith.constant dense<0.000000e+00> : vector<512x8xf32>
    %dot_general3A_102 = tpu.matmul %convert_element_type3A_45, %slice3A_100, %dot_general3A_101 {dimension_numbers = #tpu.dot_dimension_numbers<[1], [0], [0], [1], [0, 0, 1, 1], [], []>, transpose_lhs_hint = false} : vector<512x512xf32>, vector<512x8xf32>, vector<512x8xf32> -> vector<512x8xf32>
    %add3A_103 = vector.broadcast %add3A_99 : vector<1x8xf32> to vector<512x8xf32>
    %add3A_104 = arith.addf %dot_general3A_102, %add3A_103 : vector<512x8xf32>
    %reduce_sum3A_105 = arith.constant dense<0.000000e+00> : vector<8xf32>
    %reduce_sum3A_106 = vector.multi_reduction <add>, %slice3A_100, %reduce_sum3A_105 [0] : vector<512x8xf32> to vector<8xf32>
    %broadcast_in_dim3A_107 = vector.shape_cast %reduce_sum3A_106 : vector<8xf32> to vector<1x8xf32>
    %add3A_108 = arith.addf %add3A_99, %broadcast_in_dim3A_107 : vector<1x8xf32>
    %slice3A_109 = vector.extract_strided_slice %convert_element_type3A_41 {offsets = [1536, 0], sizes = [512, 8], strides = [1, 1]} : vector<2048x8xf32> to vector<512x8xf32>
    %dot_general3A_110 = arith.constant dense<0.000000e+00> : vector<512x8xf32>
    %dot_general3A_111 = tpu.matmul %convert_element_type3A_45, %slice3A_109, %dot_general3A_110 {dimension_numbers = #tpu.dot_dimension_numbers<[1], [0], [0], [1], [0, 0, 1, 1], [], []>, transpose_lhs_hint = false} : vector<512x512xf32>, vector<512x8xf32>, vector<512x8xf32> -> vector<512x8xf32>
    %add3A_112 = vector.broadcast %add3A_108 : vector<1x8xf32> to vector<512x8xf32>
    %add3A_113 = arith.addf %dot_general3A_111, %add3A_112 : vector<512x8xf32>
    %reduce_sum3A_114 = arith.constant dense<0.000000e+00> : vector<8xf32>
    %reduce_sum3A_115 = vector.multi_reduction <add>, %slice3A_109, %reduce_sum3A_114 [0] : vector<512x8xf32> to vector<8xf32>
    %broadcast_in_dim3A_116 = vector.shape_cast %reduce_sum3A_115 : vector<8xf32> to vector<1x8xf32>
    %add3A_117 = arith.addf %add3A_108, %broadcast_in_dim3A_116 : vector<1x8xf32>
    %add3A_118 = arith.constant 2.550000e+02 : f32
    %add3A_119 = vector.broadcast %add3A_118 : f32 to vector<1x8xf32>
    %add3A_120 = arith.addf %add3A_117, %add3A_119 : vector<1x8xf32>
    %div3A_121 = arith.constant 2.560000e+02 : f32
    %div3A_122 = vector.broadcast %div3A_121 : f32 to vector<1x8xf32>
    %div3A_123 = arith.divf %add3A_120, %div3A_122 : vector<1x8xf32>
    %floor3A = math.floor %div3A_123 : vector<1x8xf32>
    %iota3A_124 = tpu.iota {dimensions = array<i32: 0>} : vector<8x8xi32>
    %iota3A_125 = tpu.iota {dimensions = array<i32: 1>} : vector<8x8xi32>
    %lt3A = arith.cmpi slt, %iota3A_124, %iota3A_125 : vector<8x8xi32>
    %convert_element_type3A_126 = arith.extui %lt3A : vector<8x8xi1> to vector<8x8xi32>
    %convert_element_type3A_127 = arith.sitofp %convert_element_type3A_126 : vector<8x8xi32> to vector<8x8xf32>
    %dot_general3A_128 = arith.constant dense<0.000000e+00> : vector<1x8xf32>
    %dot_general3A_129 = tpu.matmul %floor3A, %convert_element_type3A_127, %dot_general3A_128 {dimension_numbers = #tpu.dot_dimension_numbers<[1], [0], [0], [1], [0, 0, 1, 1], [], []>, transpose_lhs_hint = false} : vector<1x8xf32>, vector<8x8xf32>, vector<1x8xf32> -> vector<1x8xf32>
    %slice3A_130 = vector.extract_strided_slice %convert_element_type3A_37 {offsets = [0, 0], sizes = [512, 8], strides = [1, 1]} : vector<2048x8xf32> to vector<512x8xf32>
    %mul3A = arith.constant 2.560000e+02 : f32
    %mul3A_131 = vector.broadcast %mul3A : f32 to vector<1x8xf32>
    %mul3A_132 = arith.mulf %dot_general3A_129, %mul3A_131 : vector<1x8xf32>
    %dot_general3A_133 = arith.constant dense<0.000000e+00> : vector<512x1xf32>
    %dot_general3A_134 = tpu.matmul %slice3A_130, %mul3A_132, %dot_general3A_133 {dimension_numbers = #tpu.dot_dimension_numbers<[1], [1], [0], [0], [0, 0, 1, 0], [], []>, transpose_lhs_hint = false} : vector<512x8xf32>, vector<1x8xf32>, vector<512x1xf32> -> vector<512x1xf32>
    %mul3A_135 = arith.mulf %add3A_51, %slice3A_130 : vector<512x8xf32>
    %reduce_sum3A_136 = arith.constant dense<0.000000e+00> : vector<512xf32>
    %reduce_sum3A_137 = vector.multi_reduction <add>, %mul3A_135, %reduce_sum3A_136 [1] : vector<512x8xf32> to vector<512xf32>
    %broadcast_in_dim3A_138 = vector.shape_cast %reduce_sum3A_137 : vector<512xf32> to vector<512x1xf32>
    %add3A_139 = arith.addf %dot_general3A_134, %broadcast_in_dim3A_138 : vector<512x1xf32>
    %slice3A_140 = vector.extract_strided_slice %convert_element_type3A_37 {offsets = [512, 0], sizes = [512, 8], strides = [1, 1]} : vector<2048x8xf32> to vector<512x8xf32>
    %mul3A_141 = arith.constant 2.560000e+02 : f32
    %mul3A_142 = vector.broadcast %mul3A_141 : f32 to vector<1x8xf32>
    %mul3A_143 = arith.mulf %dot_general3A_129, %mul3A_142 : vector<1x8xf32>
    %dot_general3A_144 = arith.constant dense<0.000000e+00> : vector<512x1xf32>
    %dot_general3A_145 = tpu.matmul %slice3A_140, %mul3A_143, %dot_general3A_144 {dimension_numbers = #tpu.dot_dimension_numbers<[1], [1], [0], [0], [0, 0, 1, 0], [], []>, transpose_lhs_hint = false} : vector<512x8xf32>, vector<1x8xf32>, vector<512x1xf32> -> vector<512x1xf32>
    %mul3A_146 = arith.mulf %add3A_59, %slice3A_140 : vector<512x8xf32>
    %reduce_sum3A_147 = arith.constant dense<0.000000e+00> : vector<512xf32>
    %reduce_sum3A_148 = vector.multi_reduction <add>, %mul3A_146, %reduce_sum3A_147 [1] : vector<512x8xf32> to vector<512xf32>
    %broadcast_in_dim3A_149 = vector.shape_cast %reduce_sum3A_148 : vector<512xf32> to vector<512x1xf32>
    %add3A_150 = arith.addf %dot_general3A_145, %broadcast_in_dim3A_149 : vector<512x1xf32>
    %slice3A_151 = vector.extract_strided_slice %convert_element_type3A_37 {offsets = [1024, 0], sizes = [512, 8], strides = [1, 1]} : vector<2048x8xf32> to vector<512x8xf32>
    %mul3A_152 = arith.constant 2.560000e+02 : f32
    %mul3A_153 = vector.broadcast %mul3A_152 : f32 to vector<1x8xf32>
    %mul3A_154 = arith.mulf %dot_general3A_129, %mul3A_153 : vector<1x8xf32>
    %dot_general3A_155 = arith.constant dense<0.000000e+00> : vector<512x1xf32>
    %dot_general3A_156 = tpu.matmul %slice3A_151, %mul3A_154, %dot_general3A_155 {dimension_numbers = #tpu.dot_dimension_numbers<[1], [1], [0], [0], [0, 0, 1, 0], [], []>, transpose_lhs_hint = false} : vector<512x8xf32>, vector<1x8xf32>, vector<512x1xf32> -> vector<512x1xf32>
    %mul3A_157 = arith.mulf %add3A_68, %slice3A_151 : vector<512x8xf32>
    %reduce_sum3A_158 = arith.constant dense<0.000000e+00> : vector<512xf32>
    %reduce_sum3A_159 = vector.multi_reduction <add>, %mul3A_157, %reduce_sum3A_158 [1] : vector<512x8xf32> to vector<512xf32>
    %broadcast_in_dim3A_160 = vector.shape_cast %reduce_sum3A_159 : vector<512xf32> to vector<512x1xf32>
    %add3A_161 = arith.addf %dot_general3A_156, %broadcast_in_dim3A_160 : vector<512x1xf32>
    %slice3A_162 = vector.extract_strided_slice %convert_element_type3A_37 {offsets = [1536, 0], sizes = [512, 8], strides = [1, 1]} : vector<2048x8xf32> to vector<512x8xf32>
    %mul3A_163 = arith.constant 2.560000e+02 : f32
    %mul3A_164 = vector.broadcast %mul3A_163 : f32 to vector<1x8xf32>
    %mul3A_165 = arith.mulf %dot_general3A_129, %mul3A_164 : vector<1x8xf32>
    %dot_general3A_166 = arith.constant dense<0.000000e+00> : vector<512x1xf32>
    %dot_general3A_167 = tpu.matmul %slice3A_162, %mul3A_165, %dot_general3A_166 {dimension_numbers = #tpu.dot_dimension_numbers<[1], [1], [0], [0], [0, 0, 1, 0], [], []>, transpose_lhs_hint = false} : vector<512x8xf32>, vector<1x8xf32>, vector<512x1xf32> -> vector<512x1xf32>
    %mul3A_168 = arith.mulf %add3A_77, %slice3A_162 : vector<512x8xf32>
    %reduce_sum3A_169 = arith.constant dense<0.000000e+00> : vector<512xf32>
    %reduce_sum3A_170 = vector.multi_reduction <add>, %mul3A_168, %reduce_sum3A_169 [1] : vector<512x8xf32> to vector<512xf32>
    %broadcast_in_dim3A_171 = vector.shape_cast %reduce_sum3A_170 : vector<512xf32> to vector<512x1xf32>
    %add3A_172 = arith.addf %dot_general3A_167, %broadcast_in_dim3A_171 : vector<512x1xf32>
    %slice3A_173 = vector.extract_strided_slice %convert_element_type3A_41 {offsets = [0, 0], sizes = [512, 8], strides = [1, 1]} : vector<2048x8xf32> to vector<512x8xf32>
    %mul3A_174 = arith.constant 2.560000e+02 : f32
    %mul3A_175 = vector.broadcast %mul3A_174 : f32 to vector<1x8xf32>
    %mul3A_176 = arith.mulf %dot_general3A_129, %mul3A_175 : vector<1x8xf32>
    %dot_general3A_177 = arith.constant dense<0.000000e+00> : vector<512x1xf32>
    %dot_general3A_178 = tpu.matmul %slice3A_173, %mul3A_176, %dot_general3A_177 {dimension_numbers = #tpu.dot_dimension_numbers<[1], [1], [0], [0], [0, 0, 1, 0], [], []>, transpose_lhs_hint = false} : vector<512x8xf32>, vector<1x8xf32>, vector<512x1xf32> -> vector<512x1xf32>
    %mul3A_179 = arith.mulf %add3A_86, %slice3A_173 : vector<512x8xf32>
    %reduce_sum3A_180 = arith.constant dense<0.000000e+00> : vector<512xf32>
    %reduce_sum3A_181 = vector.multi_reduction <add>, %mul3A_179, %reduce_sum3A_180 [1] : vector<512x8xf32> to vector<512xf32>
    %broadcast_in_dim3A_182 = vector.shape_cast %reduce_sum3A_181 : vector<512xf32> to vector<512x1xf32>
    %add3A_183 = arith.addf %dot_general3A_178, %broadcast_in_dim3A_182 : vector<512x1xf32>
    %slice3A_184 = vector.extract_strided_slice %convert_element_type3A_41 {offsets = [512, 0], sizes = [512, 8], strides = [1, 1]} : vector<2048x8xf32> to vector<512x8xf32>
    %mul3A_185 = arith.constant 2.560000e+02 : f32
    %mul3A_186 = vector.broadcast %mul3A_185 : f32 to vector<1x8xf32>
    %mul3A_187 = arith.mulf %dot_general3A_129, %mul3A_186 : vector<1x8xf32>
    %dot_general3A_188 = arith.constant dense<0.000000e+00> : vector<512x1xf32>
    %dot_general3A_189 = tpu.matmul %slice3A_184, %mul3A_187, %dot_general3A_188 {dimension_numbers = #tpu.dot_dimension_numbers<[1], [1], [0], [0], [0, 0, 1, 0], [], []>, transpose_lhs_hint = false} : vector<512x8xf32>, vector<1x8xf32>, vector<512x1xf32> -> vector<512x1xf32>
    %mul3A_190 = arith.mulf %add3A_95, %slice3A_184 : vector<512x8xf32>
    %reduce_sum3A_191 = arith.constant dense<0.000000e+00> : vector<512xf32>
    %reduce_sum3A_192 = vector.multi_reduction <add>, %mul3A_190, %reduce_sum3A_191 [1] : vector<512x8xf32> to vector<512xf32>
    %broadcast_in_dim3A_193 = vector.shape_cast %reduce_sum3A_192 : vector<512xf32> to vector<512x1xf32>
    %add3A_194 = arith.addf %dot_general3A_189, %broadcast_in_dim3A_193 : vector<512x1xf32>
    %slice3A_195 = vector.extract_strided_slice %convert_element_type3A_41 {offsets = [1024, 0], sizes = [512, 8], strides = [1, 1]} : vector<2048x8xf32> to vector<512x8xf32>
    %mul3A_196 = arith.constant 2.560000e+02 : f32
    %mul3A_197 = vector.broadcast %mul3A_196 : f32 to vector<1x8xf32>
    %mul3A_198 = arith.mulf %dot_general3A_129, %mul3A_197 : vector<1x8xf32>
    %dot_general3A_199 = arith.constant dense<0.000000e+00> : vector<512x1xf32>
    %dot_general3A_200 = tpu.matmul %slice3A_195, %mul3A_198, %dot_general3A_199 {dimension_numbers = #tpu.dot_dimension_numbers<[1], [1], [0], [0], [0, 0, 1, 0], [], []>, transpose_lhs_hint = false} : vector<512x8xf32>, vector<1x8xf32>, vector<512x1xf32> -> vector<512x1xf32>
    %mul3A_201 = arith.mulf %add3A_104, %slice3A_195 : vector<512x8xf32>
    %reduce_sum3A_202 = arith.constant dense<0.000000e+00> : vector<512xf32>
    %reduce_sum3A_203 = vector.multi_reduction <add>, %mul3A_201, %reduce_sum3A_202 [1] : vector<512x8xf32> to vector<512xf32>
    %broadcast_in_dim3A_204 = vector.shape_cast %reduce_sum3A_203 : vector<512xf32> to vector<512x1xf32>
    %add3A_205 = arith.addf %dot_general3A_200, %broadcast_in_dim3A_204 : vector<512x1xf32>
    %slice3A_206 = vector.extract_strided_slice %convert_element_type3A_41 {offsets = [1536, 0], sizes = [512, 8], strides = [1, 1]} : vector<2048x8xf32> to vector<512x8xf32>
    %mul3A_207 = arith.constant 2.560000e+02 : f32
    %mul3A_208 = vector.broadcast %mul3A_207 : f32 to vector<1x8xf32>
    %mul3A_209 = arith.mulf %dot_general3A_129, %mul3A_208 : vector<1x8xf32>
    %dot_general3A_210 = arith.constant dense<0.000000e+00> : vector<512x1xf32>
    %dot_general3A_211 = tpu.matmul %slice3A_206, %mul3A_209, %dot_general3A_210 {dimension_numbers = #tpu.dot_dimension_numbers<[1], [1], [0], [0], [0, 0, 1, 0], [], []>, transpose_lhs_hint = false} : vector<512x8xf32>, vector<1x8xf32>, vector<512x1xf32> -> vector<512x1xf32>
    %mul3A_212 = arith.mulf %add3A_113, %slice3A_206 : vector<512x8xf32>
    %reduce_sum3A_213 = arith.constant dense<0.000000e+00> : vector<512xf32>
    %reduce_sum3A_214 = vector.multi_reduction <add>, %mul3A_212, %reduce_sum3A_213 [1] : vector<512x8xf32> to vector<512xf32>
    %broadcast_in_dim3A_215 = vector.shape_cast %reduce_sum3A_214 : vector<512xf32> to vector<512x1xf32>
    %add3A_216 = arith.addf %dot_general3A_211, %broadcast_in_dim3A_215 : vector<512x1xf32>
    %concatenate3A = tpu.concatenate %add3A_139, %add3A_150, %add3A_161, %add3A_172, %add3A_183, %add3A_194, %add3A_205, %add3A_216 in 0 : vector<512x1xf32>, vector<512x1xf32>, vector<512x1xf32>, vector<512x1xf32>, vector<512x1xf32>, vector<512x1xf32>, vector<512x1xf32>, vector<512x1xf32> -> vector<4096x1xf32>
    %convert_element_type3A_217 = arith.fptosi %concatenate3A : vector<4096x1xf32> to vector<4096x1xi32>
    %swap3A = arith.constant 0 : index
    %swap3A_218 = arith.constant 0 : index
    %swap3A_219 = vector.load %arg2[%swap3A, %swap3A_218] : memref<4096x1xi32, #tpu.memory_space<vmem>>, vector<4096x1xi32>
    tpu.vector_store %arg2[%swap3A, %swap3A_218], %convert_element_type3A_217 {strides = array<i32>} : memref<4096x1xi32, #tpu.memory_space<vmem>>, vector<4096x1xi32>,
    %concatenate3A_220 = tpu.concatenate %div3A_30, %div3A_34 in 0 : vector<2048x1xf32>, vector<2048x1xf32> -> vector<4096x1xf32>
    %swap3A_221 = arith.constant 0 : index
    %swap3A_222 = arith.constant 0 : index
    %swap3A_223 = vector.load %arg3[%swap3A_221, %swap3A_222] : memref<4096x1xf32, #tpu.memory_space<vmem>>, vector<4096x1xf32>
    tpu.vector_store %arg3[%swap3A_221, %swap3A_222], %concatenate3A_220 {strides = array<i32>} : memref<4096x1xf32, #tpu.memory_space<vmem>>, vector<4096x1xf32>,
    %iota3A_224 = tpu.iota {dimensions = array<i32: 0>} : vector<24x8xi32>
    %gt3A_225 = arith.constant 0.000000e+00 : f32
    %gt3A_226 = vector.broadcast %gt3A_225 : f32 to vector<1x8xf32>
    %gt3A_227 = arith.cmpf ogt, %floor3A, %gt3A_226 : vector<1x8xf32>
    %convert_element_type3A_228 = arith.fptosi %dot_general3A_129 : vector<1x8xf32> to vector<1x8xi32>
    %eq3A_229 = vector.broadcast %convert_element_type3A_228 : vector<1x8xi32> to vector<24x8xi32>
    %eq3A_230 = arith.cmpi eq, %iota3A_224, %eq3A_229 : vector<24x8xi32>
    %broadcast_in_dim3A_231 = vector.shape_cast %gt3A_227 : vector<1x8xi1> to vector<1x8xi1>
    %broadcast_in_dim3A_232 = vector.broadcast %broadcast_in_dim3A_231 : vector<1x8xi1> to vector<24x8xi1>
    %and3A = arith.andi %eq3A_230, %broadcast_in_dim3A_232 : vector<24x8xi1>
    %convert_element_type3A_233 = arith.extui %and3A : vector<24x8xi1> to vector<24x8xi32>
    %convert_element_type3A_234 = arith.sitofp %convert_element_type3A_233 : vector<24x8xi32> to vector<24x8xf32>
    %reduce_sum3A_235 = arith.constant dense<0.000000e+00> : vector<24xf32>
    %reduce_sum3A_236 = vector.multi_reduction <add>, %convert_element_type3A_234, %reduce_sum3A_235 [1] : vector<24x8xf32> to vector<24xf32>
    %broadcast_in_dim3A_237 = vector.shape_cast %reduce_sum3A_236 : vector<24xf32> to vector<24x1xf32>
    %iota3A_238 = tpu.iota {dimensions = array<i32: 0>} : vector<24x24xi32>
    %iota3A_239 = tpu.iota {dimensions = array<i32: 1>} : vector<24x24xi32>
    %ge3A = arith.cmpi sge, %iota3A_238, %iota3A_239 : vector<24x24xi32>
    %convert_element_type3A_240 = arith.extui %ge3A : vector<24x24xi1> to vector<24x24xi32>
    %convert_element_type3A_241 = arith.sitofp %convert_element_type3A_240 : vector<24x24xi32> to vector<24x24xf32>
    %dot_general3A_242 = arith.constant dense<0.000000e+00> : vector<24x1xf32>
    %dot_general3A_243 = tpu.matmul %convert_element_type3A_241, %broadcast_in_dim3A_237, %dot_general3A_242 {dimension_numbers = #tpu.dot_dimension_numbers<[1], [0], [0], [1], [0, 0, 1, 1], [], []>, transpose_lhs_hint = false} : vector<24x24xf32>, vector<24x1xf32>, vector<24x1xf32> -> vector<24x1xf32>
    %sub3A_244 = arith.constant 1.000000e+00 : f32
    %sub3A_245 = vector.broadcast %sub3A_244 : f32 to vector<24x1xf32>
    %sub3A_246 = arith.subf %dot_general3A_243, %sub3A_245 : vector<24x1xf32>
    %convert_element_type3A_247 = arith.extui %gt3A_227 : vector<1x8xi1> to vector<1x8xi32>
    %convert_element_type3A_248 = arith.sitofp %convert_element_type3A_247 : vector<1x8xi32> to vector<1x8xf32>
    %dot_general3A_249 = arith.constant dense<0.000000e+00> : vector<1x8xf32>
    %dot_general3A_250 = tpu.matmul %convert_element_type3A_248, %convert_element_type3A_127, %dot_general3A_249 {dimension_numbers = #tpu.dot_dimension_numbers<[1], [0], [0], [1], [0, 0, 1, 1], [], []>, transpose_lhs_hint = false} : vector<1x8xf32>, vector<8x8xf32>, vector<1x8xf32> -> vector<1x8xf32>
    %iota3A_251 = tpu.iota {dimensions = array<i32: 0>} : vector<8x8xi32>
    %convert_element_type3A_252 = arith.fptosi %dot_general3A_250 : vector<1x8xf32> to vector<1x8xi32>
    %eq3A_253 = vector.broadcast %convert_element_type3A_252 : vector<1x8xi32> to vector<8x8xi32>
    %eq3A_254 = arith.cmpi eq, %iota3A_251, %eq3A_253 : vector<8x8xi32>
    %broadcast_in_dim3A_255 = vector.shape_cast %gt3A_227 : vector<1x8xi1> to vector<1x8xi1>
    %broadcast_in_dim3A_256 = vector.broadcast %broadcast_in_dim3A_255 : vector<1x8xi1> to vector<8x8xi1>
    %and3A_257 = arith.andi %eq3A_254, %broadcast_in_dim3A_256 : vector<8x8xi1>
    %iota3A_258 = tpu.iota {dimensions = array<i32: 0>} : vector<8x1xi32>
    %convert_element_type3A_259 = arith.sitofp %iota3A_258 : vector<8x1xi32> to vector<8x1xf32>
    %convert_element_type3A_260 = arith.extui %and3A_257 : vector<8x8xi1> to vector<8x8xi32>
    %convert_element_type3A_261 = arith.sitofp %convert_element_type3A_260 : vector<8x8xi32> to vector<8x8xf32>
    %dot_general3A_262 = arith.constant dense<0.000000e+00> : vector<8x1xf32>
    %dot_general3A_263 = tpu.matmul %convert_element_type3A_261, %convert_element_type3A_259, %dot_general3A_262 {dimension_numbers = #tpu.dot_dimension_numbers<[1], [0], [0], [1], [0, 0, 1, 1], [], []>, transpose_lhs_hint = false} : vector<8x8xf32>, vector<8x1xf32>, vector<8x1xf32> -> vector<8x1xf32>
    %convert_element_type3A_264 = arith.extui %gt3A_227 : vector<1x8xi1> to vector<1x8xi32>
    %convert_element_type3A_265 = arith.sitofp %convert_element_type3A_264 : vector<1x8xi32> to vector<1x8xf32>
    %reduce_sum3A_266 = arith.constant dense<0.000000e+00> : vector<1xf32>
    %reduce_sum3A_267 = vector.multi_reduction <add>, %convert_element_type3A_265, %reduce_sum3A_266 [1] : vector<1x8xf32> to vector<1xf32>
    %broadcast_in_dim3A_268 = vector.shape_cast %reduce_sum3A_267 : vector<1xf32> to vector<1x1xf32>
    %convert_element_type3A_269 = arith.fptosi %sub3A_246 : vector<24x1xf32> to vector<24x1xi32>
    %swap3A_270 = arith.constant 0 : index
    %swap3A_271 = arith.constant 0 : index
    %swap3A_272 = vector.load %arg4[%swap3A_270, %swap3A_271] : memref<24x1xi32, #tpu.memory_space<vmem>>, vector<24x1xi32>
    tpu.vector_store %arg4[%swap3A_270, %swap3A_271], %convert_element_type3A_269 {strides = array<i32>} : memref<24x1xi32, #tpu.memory_space<vmem>>, vector<24x1xi32>,
    %convert_element_type3A_273 = arith.fptosi %broadcast_in_dim3A_237 : vector<24x1xf32> to vector<24x1xi32>
    %swap3A_274 = arith.constant 0 : index
    %swap3A_275 = arith.constant 0 : index
    %swap3A_276 = vector.load %arg5[%swap3A_274, %swap3A_275] : memref<24x1xi32, #tpu.memory_space<vmem>>, vector<24x1xi32>
    tpu.vector_store %arg5[%swap3A_274, %swap3A_275], %convert_element_type3A_273 {strides = array<i32>} : memref<24x1xi32, #tpu.memory_space<vmem>>, vector<24x1xi32>,
    %convert_element_type3A_277 = arith.fptosi %dot_general3A_263 : vector<8x1xf32> to vector<8x1xi32>
    %swap3A_278 = arith.constant 0 : index
    %swap3A_279 = arith.constant 0 : index
    %swap3A_280 = vector.load %arg6[%swap3A_278, %swap3A_279] : memref<8x1xi32, #tpu.memory_space<vmem>>, vector<8x1xi32>
    tpu.vector_store %arg6[%swap3A_278, %swap3A_279], %convert_element_type3A_277 {strides = array<i32>} : memref<8x1xi32, #tpu.memory_space<vmem>>, vector<8x1xi32>,
    %convert_element_type3A_281 = arith.fptosi %broadcast_in_dim3A_268 : vector<1x1xf32> to vector<1x1xi32>
    %swap3A_282 = arith.constant 0 : index
    %swap3A_283 = arith.constant 0 : index
    %swap3A_284 = vector.load %arg7[%swap3A_282, %swap3A_283] : memref<1x1xi32, #tpu.memory_space<vmem>>, vector<1x1xi32>
    tpu.vector_store %arg7[%swap3A_282, %swap3A_283], %convert_element_type3A_281 {strides = array<i32>} : memref<1x1xi32, #tpu.memory_space<vmem>>, vector<1x1xi32>,
    %reduce_sum3A_285 = arith.constant dense<0.000000e+00> : vector<1xf32>
    %reduce_sum3A_286 = vector.multi_reduction <add>, %floor3A, %reduce_sum3A_285 [1] : vector<1x8xf32> to vector<1xf32>
    %broadcast_in_dim3A_287 = vector.shape_cast %reduce_sum3A_286 : vector<1xf32> to vector<1x1xf32>
    %iota3A_288 = tpu.iota {dimensions = array<i32: 0>} : vector<24x1xi32>
    %convert_element_type3A_289 = arith.sitofp %iota3A_288 : vector<24x1xi32> to vector<24x1xf32>
    %lt3A_290 = vector.broadcast %broadcast_in_dim3A_287 : vector<1x1xf32> to vector<24x1xf32>
    %lt3A_291 = arith.cmpf olt, %convert_element_type3A_289, %lt3A_290 : vector<24x1xf32>
    %convert_element_type3A_292 = arith.extui %lt3A_291 : vector<24x1xi1> to vector<24x1xi32>
    %swap3A_293 = arith.constant 0 : index
    %swap3A_294 = arith.constant 0 : index
    %swap3A_295 = vector.load %arg8[%swap3A_293, %swap3A_294] : memref<24x1xi32, #tpu.memory_space<vmem>>, vector<24x1xi32>
    tpu.vector_store %arg8[%swap3A_293, %swap3A_294], %convert_element_type3A_292 {strides = array<i32>} : memref<24x1xi32, #tpu.memory_space<vmem>>, vector<24x1xi32>,
    %sub3A_296 = arith.constant 1.000000e+00 : f32
    %sub3A_297 = vector.broadcast %sub3A_296 : f32 to vector<1x1xf32>
    %sub3A_298 = arith.subf %broadcast_in_dim3A_287, %sub3A_297 : vector<1x1xf32>
    %min3A = vector.broadcast %sub3A_298 : vector<1x1xf32> to vector<24x1xf32>
    %min3A_299 = arith.minimumf %convert_element_type3A_289, %min3A : vector<24x1xf32>
    %convert_element_type3A_300 = arith.fptosi %min3A_299 : vector<24x1xf32> to vector<24x1xi32>
    %swap3A_301 = arith.constant 0 : index
    %swap3A_302 = arith.constant 0 : index
    %swap3A_303 = vector.load %arg9[%swap3A_301, %swap3A_302] : memref<24x1xi32, #tpu.memory_space<vmem>>, vector<24x1xi32>
    tpu.vector_store %arg9[%swap3A_301, %swap3A_302], %convert_element_type3A_300 {strides = array<i32>} : memref<24x1xi32, #tpu.memory_space<vmem>>, vector<24x1xi32>,
    return
  }
}

module attributes {stable_mosaic.version = 14 : i64} {
  func.func @_ffn_body(%arg0: i32, %arg1: memref<24xi32, #tpu.memory_space<smem>>, %arg2: memref<24xi32, #tpu.memory_space<smem>>, %arg3: memref<8xi32, #tpu.memory_space<smem>>, %arg4: memref<1xi32, #tpu.memory_space<smem>>, %arg5: memref<24xi32, #tpu.memory_space<smem>>, %arg6: memref<24xi32, #tpu.memory_space<smem>>, %arg7: memref<256x768xf32, #tpu.memory_space<vmem>>, %arg8: memref<8x3072x768xf32, #tpu.memory_space<any>>, %arg9: memref<8x3072xf32, #tpu.memory_space<vmem>>, %arg10: memref<8x768x3072xf32, #tpu.memory_space<any>>, %arg11: memref<8x768xf32, #tpu.memory_space<vmem>>, %arg12: memref<256x768xf32, #tpu.memory_space<vmem>>, %arg13: memref<2x3072x768xf32, #tpu.memory_space<vmem>>, %arg14: memref<2x768x3072xf32, #tpu.memory_space<vmem>>, %arg15: memref<2x!tpu.dma_semaphore, #tpu.memory_space<semaphore_mem>>, %arg16: memref<2x!tpu.dma_semaphore, #tpu.memory_space<semaphore_mem>>) attributes {dimension_semantics = [#tpu.dimension_semantics<arbitrary>], iteration_bounds = array<i64: 24>, scalar_prefetch = 6 : i64, scratch_operands = 4 : i64, tpu.core_type = #tpu.core_type<tc>, window_params = [{transform_indices = @transform_0, window_bounds = array<i64: 256, 768>}, {}, {pipeline_mode = #tpu.pipeline_mode<synchronous>, transform_indices = @transform_2, window_bounds = array<i64: 8, 3072>}, {}, {pipeline_mode = #tpu.pipeline_mode<synchronous>, transform_indices = @transform_4, window_bounds = array<i64: 8, 768>}, {transform_indices = @transform_5, window_bounds = array<i64: 256, 768>}]} {
    %get3A = arith.index_cast %arg0 : i32 to index
    %get3A_0 = memref.load %arg1[%get3A] : memref<24xi32, #tpu.memory_space<smem>>
    %rem3A = arith.constant 2 : i32
    %rem3A_1 = arith.remsi %get3A_0, %rem3A : i32
    %eq3A = arith.constant 0 : i32
    %eq3A_2 = arith.cmpi eq, %arg0, %eq3A : i32
    %convert_element_type3A = arith.extui %eq3A_2 : i1 to i32
    %cond3A = arith.constant 0 : i32
    %cond3A_3 = arith.cmpi ne, %convert_element_type3A, %cond3A : i32
    scf.if %cond3A_3 {
      %get3A_18 = arith.constant 0 : index
      %get3A_19 = memref.load %arg3[%get3A_18] : memref<8xi32, #tpu.memory_space<smem>>
      %dma_start3A = arith.constant 0 : i32
      %dma_start3A_20 = arith.constant 0 : i32
      %dma_start3A_21 = tpu.memref_slice %arg15[%dma_start3A_20] : memref<2x!tpu.dma_semaphore, #tpu.memory_space<semaphore_mem>> -> memref<1x!tpu.dma_semaphore, #tpu.memory_space<semaphore_mem>>
      %dma_start3A_22 = tpu.memref_squeeze %dma_start3A_21 : memref<1x!tpu.dma_semaphore, #tpu.memory_space<semaphore_mem>> -> memref<!tpu.dma_semaphore, #tpu.memory_space<semaphore_mem>>
      %dma_start3A_23 = arith.constant 0 : i32
      %dma_start3A_24 = arith.constant 0 : i32
      %dma_start3A_25 = tpu.memref_slice %arg13[%dma_start3A, %dma_start3A_23, %dma_start3A_24] : memref<2x3072x768xf32, #tpu.memory_space<vmem>> -> memref<1x3072x768xf32, #tpu.memory_space<vmem>>
      %dma_start3A_26 = tpu.memref_squeeze %dma_start3A_25 : memref<1x3072x768xf32, #tpu.memory_space<vmem>> -> memref<3072x768xf32, #tpu.memory_space<vmem>>
      %dma_start3A_27 = arith.constant 0 : i32
      %dma_start3A_28 = arith.constant 0 : i32
      %dma_start3A_29 = tpu.memref_slice %arg8[%get3A_19, %dma_start3A_27, %dma_start3A_28] : memref<8x3072x768xf32, #tpu.memory_space<any>> -> memref<1x3072x768xf32, #tpu.memory_space<any>>
      %dma_start3A_30 = tpu.memref_squeeze %dma_start3A_29 : memref<1x3072x768xf32, #tpu.memory_space<any>> -> memref<3072x768xf32, #tpu.memory_space<any>>
      tpu.enqueue_dma source(%dma_start3A_30 : memref<3072x768xf32, #tpu.memory_space<any>>) target(%dma_start3A_26 : memref<3072x768xf32, #tpu.memory_space<vmem>>) target_semaphore(%dma_start3A_22 : memref<!tpu.dma_semaphore, #tpu.memory_space<semaphore_mem>>)
      %dma_start3A_31 = arith.constant 0 : i32
      %dma_start3A_32 = arith.constant 0 : i32
      %dma_start3A_33 = tpu.memref_slice %arg16[%dma_start3A_32] : memref<2x!tpu.dma_semaphore, #tpu.memory_space<semaphore_mem>> -> memref<1x!tpu.dma_semaphore, #tpu.memory_space<semaphore_mem>>
      %dma_start3A_34 = tpu.memref_squeeze %dma_start3A_33 : memref<1x!tpu.dma_semaphore, #tpu.memory_space<semaphore_mem>> -> memref<!tpu.dma_semaphore, #tpu.memory_space<semaphore_mem>>
      %dma_start3A_35 = arith.constant 0 : i32
      %dma_start3A_36 = arith.constant 0 : i32
      %dma_start3A_37 = tpu.memref_slice %arg14[%dma_start3A_31, %dma_start3A_35, %dma_start3A_36] : memref<2x768x3072xf32, #tpu.memory_space<vmem>> -> memref<1x768x3072xf32, #tpu.memory_space<vmem>>
      %dma_start3A_38 = tpu.memref_squeeze %dma_start3A_37 : memref<1x768x3072xf32, #tpu.memory_space<vmem>> -> memref<768x3072xf32, #tpu.memory_space<vmem>>
      %dma_start3A_39 = arith.constant 0 : i32
      %dma_start3A_40 = arith.constant 0 : i32
      %dma_start3A_41 = tpu.memref_slice %arg10[%get3A_19, %dma_start3A_39, %dma_start3A_40] : memref<8x768x3072xf32, #tpu.memory_space<any>> -> memref<1x768x3072xf32, #tpu.memory_space<any>>
      %dma_start3A_42 = tpu.memref_squeeze %dma_start3A_41 : memref<1x768x3072xf32, #tpu.memory_space<any>> -> memref<768x3072xf32, #tpu.memory_space<any>>
      tpu.enqueue_dma source(%dma_start3A_42 : memref<768x3072xf32, #tpu.memory_space<any>>) target(%dma_start3A_38 : memref<768x3072xf32, #tpu.memory_space<vmem>>) target_semaphore(%dma_start3A_34 : memref<!tpu.dma_semaphore, #tpu.memory_space<semaphore_mem>>)
    } else {
    }
    %get3A_4 = arith.index_cast %arg0 : i32 to index
    %get3A_5 = memref.load %arg2[%get3A_4] : memref<24xi32, #tpu.memory_space<smem>>
    %eq3A_6 = arith.constant 1 : i32
    %eq3A_7 = arith.cmpi eq, %get3A_5, %eq3A_6 : i32
    %convert_element_type3A_8 = arith.extui %eq3A_7 : i1 to i32
    %cond3A_9 = arith.constant 0 : i32
    %cond3A_10 = arith.cmpi ne, %convert_element_type3A_8, %cond3A_9 : i32
    scf.if %cond3A_10 {
      %add3A = arith.constant 1 : i32
      %add3A_18 = arith.addi %get3A_0, %add3A : i32
      %get3A_19 = arith.constant 0 : index
      %get3A_20 = memref.load %arg4[%get3A_19] : memref<1xi32, #tpu.memory_space<smem>>
      %lt3A = arith.cmpi slt, %add3A_18, %get3A_20 : i32
      %convert_element_type3A_21 = arith.extui %lt3A : i1 to i32
      %cond3A_22 = arith.constant 0 : i32
      %cond3A_23 = arith.cmpi ne, %convert_element_type3A_21, %cond3A_22 : i32
      scf.if %cond3A_23 {
        %rem3A_45 = arith.constant 2 : i32
        %rem3A_46 = arith.remsi %add3A_18, %rem3A_45 : i32
        %get3A_47 = arith.index_cast %add3A_18 : i32 to index
        %get3A_48 = memref.load %arg3[%get3A_47] : memref<8xi32, #tpu.memory_space<smem>>
        %dma_start3A = tpu.memref_slice %arg15[%rem3A_46] : memref<2x!tpu.dma_semaphore, #tpu.memory_space<semaphore_mem>> -> memref<1x!tpu.dma_semaphore, #tpu.memory_space<semaphore_mem>>
        %dma_start3A_49 = tpu.memref_squeeze %dma_start3A : memref<1x!tpu.dma_semaphore, #tpu.memory_space<semaphore_mem>> -> memref<!tpu.dma_semaphore, #tpu.memory_space<semaphore_mem>>
        %dma_start3A_50 = arith.constant 0 : i32
        %dma_start3A_51 = arith.constant 0 : i32
        %dma_start3A_52 = tpu.memref_slice %arg13[%rem3A_46, %dma_start3A_50, %dma_start3A_51] : memref<2x3072x768xf32, #tpu.memory_space<vmem>> -> memref<1x3072x768xf32, #tpu.memory_space<vmem>>
        %dma_start3A_53 = tpu.memref_squeeze %dma_start3A_52 : memref<1x3072x768xf32, #tpu.memory_space<vmem>> -> memref<3072x768xf32, #tpu.memory_space<vmem>>
        %dma_start3A_54 = arith.constant 0 : i32
        %dma_start3A_55 = arith.constant 0 : i32
        %dma_start3A_56 = tpu.memref_slice %arg8[%get3A_48, %dma_start3A_54, %dma_start3A_55] : memref<8x3072x768xf32, #tpu.memory_space<any>> -> memref<1x3072x768xf32, #tpu.memory_space<any>>
        %dma_start3A_57 = tpu.memref_squeeze %dma_start3A_56 : memref<1x3072x768xf32, #tpu.memory_space<any>> -> memref<3072x768xf32, #tpu.memory_space<any>>
        tpu.enqueue_dma source(%dma_start3A_57 : memref<3072x768xf32, #tpu.memory_space<any>>) target(%dma_start3A_53 : memref<3072x768xf32, #tpu.memory_space<vmem>>) target_semaphore(%dma_start3A_49 : memref<!tpu.dma_semaphore, #tpu.memory_space<semaphore_mem>>)
        %dma_start3A_58 = tpu.memref_slice %arg16[%rem3A_46] : memref<2x!tpu.dma_semaphore, #tpu.memory_space<semaphore_mem>> -> memref<1x!tpu.dma_semaphore, #tpu.memory_space<semaphore_mem>>
        %dma_start3A_59 = tpu.memref_squeeze %dma_start3A_58 : memref<1x!tpu.dma_semaphore, #tpu.memory_space<semaphore_mem>> -> memref<!tpu.dma_semaphore, #tpu.memory_space<semaphore_mem>>
        %dma_start3A_60 = arith.constant 0 : i32
        %dma_start3A_61 = arith.constant 0 : i32
        %dma_start3A_62 = tpu.memref_slice %arg14[%rem3A_46, %dma_start3A_60, %dma_start3A_61] : memref<2x768x3072xf32, #tpu.memory_space<vmem>> -> memref<1x768x3072xf32, #tpu.memory_space<vmem>>
        %dma_start3A_63 = tpu.memref_squeeze %dma_start3A_62 : memref<1x768x3072xf32, #tpu.memory_space<vmem>> -> memref<768x3072xf32, #tpu.memory_space<vmem>>
        %dma_start3A_64 = arith.constant 0 : i32
        %dma_start3A_65 = arith.constant 0 : i32
        %dma_start3A_66 = tpu.memref_slice %arg10[%get3A_48, %dma_start3A_64, %dma_start3A_65] : memref<8x768x3072xf32, #tpu.memory_space<any>> -> memref<1x768x3072xf32, #tpu.memory_space<any>>
        %dma_start3A_67 = tpu.memref_squeeze %dma_start3A_66 : memref<1x768x3072xf32, #tpu.memory_space<any>> -> memref<768x3072xf32, #tpu.memory_space<any>>
        tpu.enqueue_dma source(%dma_start3A_67 : memref<768x3072xf32, #tpu.memory_space<any>>) target(%dma_start3A_63 : memref<768x3072xf32, #tpu.memory_space<vmem>>) target_semaphore(%dma_start3A_59 : memref<!tpu.dma_semaphore, #tpu.memory_space<semaphore_mem>>)
      } else {
      }
      %get3A_24 = arith.index_cast %get3A_0 : i32 to index
      %get3A_25 = memref.load %arg3[%get3A_24] : memref<8xi32, #tpu.memory_space<smem>>
      %dma_wait3A = tpu.memref_slice %arg15[%rem3A_1] : memref<2x!tpu.dma_semaphore, #tpu.memory_space<semaphore_mem>> -> memref<1x!tpu.dma_semaphore, #tpu.memory_space<semaphore_mem>>
      %dma_wait3A_26 = tpu.memref_squeeze %dma_wait3A : memref<1x!tpu.dma_semaphore, #tpu.memory_space<semaphore_mem>> -> memref<!tpu.dma_semaphore, #tpu.memory_space<semaphore_mem>>
      %dma_wait3A_27 = arith.constant 0 : i32
      %dma_wait3A_28 = arith.constant 0 : i32
      %dma_wait3A_29 = tpu.memref_slice %arg13[%rem3A_1, %dma_wait3A_27, %dma_wait3A_28] : memref<2x3072x768xf32, #tpu.memory_space<vmem>> -> memref<1x3072x768xf32, #tpu.memory_space<vmem>>
      %dma_wait3A_30 = tpu.memref_squeeze %dma_wait3A_29 : memref<1x3072x768xf32, #tpu.memory_space<vmem>> -> memref<3072x768xf32, #tpu.memory_space<vmem>>
      %dma_wait3A_31 = arith.constant 0 : i32
      %dma_wait3A_32 = arith.constant 0 : i32
      %dma_wait3A_33 = tpu.memref_slice %arg8[%get3A_25, %dma_wait3A_31, %dma_wait3A_32] : memref<8x3072x768xf32, #tpu.memory_space<any>> -> memref<1x3072x768xf32, #tpu.memory_space<any>>
      %dma_wait3A_34 = tpu.memref_squeeze %dma_wait3A_33 : memref<1x3072x768xf32, #tpu.memory_space<any>> -> memref<3072x768xf32, #tpu.memory_space<any>>
      tpu.wait_dma2 semaphore(%dma_wait3A_26 : memref<!tpu.dma_semaphore, #tpu.memory_space<semaphore_mem>>) src(%dma_wait3A_34 : memref<3072x768xf32, #tpu.memory_space<any>>) dst(%dma_wait3A_30 : memref<3072x768xf32, #tpu.memory_space<vmem>>)
      %dma_wait3A_35 = tpu.memref_slice %arg16[%rem3A_1] : memref<2x!tpu.dma_semaphore, #tpu.memory_space<semaphore_mem>> -> memref<1x!tpu.dma_semaphore, #tpu.memory_space<semaphore_mem>>
      %dma_wait3A_36 = tpu.memref_squeeze %dma_wait3A_35 : memref<1x!tpu.dma_semaphore, #tpu.memory_space<semaphore_mem>> -> memref<!tpu.dma_semaphore, #tpu.memory_space<semaphore_mem>>
      %dma_wait3A_37 = arith.constant 0 : i32
      %dma_wait3A_38 = arith.constant 0 : i32
      %dma_wait3A_39 = tpu.memref_slice %arg14[%rem3A_1, %dma_wait3A_37, %dma_wait3A_38] : memref<2x768x3072xf32, #tpu.memory_space<vmem>> -> memref<1x768x3072xf32, #tpu.memory_space<vmem>>
      %dma_wait3A_40 = tpu.memref_squeeze %dma_wait3A_39 : memref<1x768x3072xf32, #tpu.memory_space<vmem>> -> memref<768x3072xf32, #tpu.memory_space<vmem>>
      %dma_wait3A_41 = arith.constant 0 : i32
      %dma_wait3A_42 = arith.constant 0 : i32
      %dma_wait3A_43 = tpu.memref_slice %arg10[%get3A_25, %dma_wait3A_41, %dma_wait3A_42] : memref<8x768x3072xf32, #tpu.memory_space<any>> -> memref<1x768x3072xf32, #tpu.memory_space<any>>
      %dma_wait3A_44 = tpu.memref_squeeze %dma_wait3A_43 : memref<1x768x3072xf32, #tpu.memory_space<any>> -> memref<768x3072xf32, #tpu.memory_space<any>>
      tpu.wait_dma2 semaphore(%dma_wait3A_36 : memref<!tpu.dma_semaphore, #tpu.memory_space<semaphore_mem>>) src(%dma_wait3A_44 : memref<768x3072xf32, #tpu.memory_space<any>>) dst(%dma_wait3A_40 : memref<768x3072xf32, #tpu.memory_space<vmem>>)
    } else {
    }
    %get3A_11 = arith.index_cast %arg0 : i32 to index
    %get3A_12 = memref.load %arg5[%get3A_11] : memref<24xi32, #tpu.memory_space<smem>>
    %eq3A_13 = arith.constant 1 : i32
    %eq3A_14 = arith.cmpi eq, %get3A_12, %eq3A_13 : i32
    %convert_element_type3A_15 = arith.extui %eq3A_14 : i1 to i32
    %cond3A_16 = arith.constant 0 : i32
    %cond3A_17 = arith.cmpi ne, %convert_element_type3A_15, %cond3A_16 : i32
    scf.if %cond3A_17 {
      %get3A_18 = arith.index_cast %get3A_0 : i32 to index
      %get3A_19 = memref.load %arg3[%get3A_18] : memref<8xi32, #tpu.memory_space<smem>>
      %get3A_20 = arith.constant 0 : index
      %get3A_21 = arith.constant 0 : index
      %get3A_22 = vector.load %arg7[%get3A_20, %get3A_21] : memref<256x768xf32, #tpu.memory_space<vmem>>, vector<256x768xf32>
      %convert_element_type3A_23 = arith.truncf %get3A_22 : vector<256x768xf32> to vector<256x768xbf16>
      %broadcast_in_dim3A = arith.constant 0.000000e+00 : f32
      %broadcast_in_dim3A_24 = vector.broadcast %broadcast_in_dim3A : f32 to vector<256x768xf32>
      %get3A_25 = arith.index_cast %get3A_19 : i32 to index
      %get3A_26 = arith.constant 0 : index
      %get3A_27 = vector.load %arg11[%get3A_25, %get3A_26] : memref<8x768xf32, #tpu.memory_space<vmem>>, vector<1x768xf32>
      %get3A_28 = vector.shape_cast %get3A_27 : vector<1x768xf32> to vector<768xf32>
      %broadcast_in_dim3A_29 = vector.shape_cast %get3A_28 : vector<768xf32> to vector<1x768xf32>
      %add3A = vector.broadcast %broadcast_in_dim3A_29 : vector<1x768xf32> to vector<256x768xf32>
      %add3A_30 = arith.addf %broadcast_in_dim3A_24, %add3A : vector<256x768xf32>
      %get3A_31 = arith.index_cast %rem3A_1 : i32 to index
      %get3A_32 = arith.constant 0 : index
      %get3A_33 = arith.constant 0 : index
      %get3A_34 = vector.load %arg13[%get3A_31, %get3A_32, %get3A_33] : memref<2x3072x768xf32, #tpu.memory_space<vmem>>, vector<1x1536x768xf32>
      %get3A_35 = vector.shape_cast %get3A_34 : vector<1x1536x768xf32> to vector<1536x768xf32>
      %convert_element_type3A_36 = arith.truncf %get3A_35 : vector<1536x768xf32> to vector<1536x768xbf16>
      %dot_general3A = arith.constant dense<0.000000e+00> : vector<256x1536xf32>
      %dot_general3A_37 = tpu.matmul %convert_element_type3A_23, %convert_element_type3A_36, %dot_general3A {dimension_numbers = #tpu.dot_dimension_numbers<[1], [1], [0], [0], [0, 0, 1, 0], [], []>, transpose_lhs_hint = false} : vector<256x768xbf16>, vector<1536x768xbf16>, vector<256x1536xf32> -> vector<256x1536xf32>
      %get3A_38 = arith.index_cast %get3A_19 : i32 to index
      %get3A_39 = arith.constant 0 : index
      %get3A_40 = vector.load %arg9[%get3A_38, %get3A_39] : memref<8x3072xf32, #tpu.memory_space<vmem>>, vector<1x1536xf32>
      %get3A_41 = vector.shape_cast %get3A_40 : vector<1x1536xf32> to vector<1536xf32>
      %broadcast_in_dim3A_42 = vector.shape_cast %get3A_41 : vector<1536xf32> to vector<1x1536xf32>
      %add3A_43 = vector.broadcast %broadcast_in_dim3A_42 : vector<1x1536xf32> to vector<256x1536xf32>
      %add3A_44 = arith.addf %dot_general3A_37, %add3A_43 : vector<256x1536xf32>
      %max3A = arith.constant 0.000000e+00 : f32
      %max3A_45 = vector.broadcast %max3A : f32 to vector<256x1536xf32>
      %max3A_46 = arith.maximumf %add3A_44, %max3A_45 : vector<256x1536xf32>
      %get3A_47 = arith.index_cast %rem3A_1 : i32 to index
      %get3A_48 = arith.constant 0 : index
      %get3A_49 = arith.constant 0 : index
      %get3A_50 = vector.load %arg14[%get3A_47, %get3A_48, %get3A_49] : memref<2x768x3072xf32, #tpu.memory_space<vmem>>, vector<1x768x1536xf32>
      %get3A_51 = vector.shape_cast %get3A_50 : vector<1x768x1536xf32> to vector<768x1536xf32>
      %convert_element_type3A_52 = arith.truncf %get3A_51 : vector<768x1536xf32> to vector<768x1536xbf16>
      %convert_element_type3A_53 = arith.truncf %max3A_46 : vector<256x1536xf32> to vector<256x1536xbf16>
      %dot_general3A_54 = arith.constant dense<0.000000e+00> : vector<256x768xf32>
      %dot_general3A_55 = tpu.matmul %convert_element_type3A_53, %convert_element_type3A_52, %dot_general3A_54 {dimension_numbers = #tpu.dot_dimension_numbers<[1], [1], [0], [0], [0, 0, 1, 0], [], []>, transpose_lhs_hint = false} : vector<256x1536xbf16>, vector<768x1536xbf16>, vector<256x768xf32> -> vector<256x768xf32>
      %add3A_56 = arith.addf %add3A_30, %dot_general3A_55 : vector<256x768xf32>
      %get3A_57 = arith.index_cast %rem3A_1 : i32 to index
      %get3A_58 = arith.constant 1536 : index
      %get3A_59 = arith.constant 0 : index
      %get3A_60 = vector.load %arg13[%get3A_57, %get3A_58, %get3A_59] : memref<2x3072x768xf32, #tpu.memory_space<vmem>>, vector<1x1536x768xf32>
      %get3A_61 = vector.shape_cast %get3A_60 : vector<1x1536x768xf32> to vector<1536x768xf32>
      %convert_element_type3A_62 = arith.truncf %get3A_61 : vector<1536x768xf32> to vector<1536x768xbf16>
      %dot_general3A_63 = arith.constant dense<0.000000e+00> : vector<256x1536xf32>
      %dot_general3A_64 = tpu.matmul %convert_element_type3A_23, %convert_element_type3A_62, %dot_general3A_63 {dimension_numbers = #tpu.dot_dimension_numbers<[1], [1], [0], [0], [0, 0, 1, 0], [], []>, transpose_lhs_hint = false} : vector<256x768xbf16>, vector<1536x768xbf16>, vector<256x1536xf32> -> vector<256x1536xf32>
      %get3A_65 = arith.index_cast %get3A_19 : i32 to index
      %get3A_66 = arith.constant 1536 : index
      %get3A_67 = vector.load %arg9[%get3A_65, %get3A_66] : memref<8x3072xf32, #tpu.memory_space<vmem>>, vector<1x1536xf32>
      %get3A_68 = vector.shape_cast %get3A_67 : vector<1x1536xf32> to vector<1536xf32>
      %broadcast_in_dim3A_69 = vector.shape_cast %get3A_68 : vector<1536xf32> to vector<1x1536xf32>
      %add3A_70 = vector.broadcast %broadcast_in_dim3A_69 : vector<1x1536xf32> to vector<256x1536xf32>
      %add3A_71 = arith.addf %dot_general3A_64, %add3A_70 : vector<256x1536xf32>
      %max3A_72 = arith.constant 0.000000e+00 : f32
      %max3A_73 = vector.broadcast %max3A_72 : f32 to vector<256x1536xf32>
      %max3A_74 = arith.maximumf %add3A_71, %max3A_73 : vector<256x1536xf32>
      %get3A_75 = arith.index_cast %rem3A_1 : i32 to index
      %get3A_76 = arith.constant 0 : index
      %get3A_77 = arith.constant 1536 : index
      %get3A_78 = vector.load %arg14[%get3A_75, %get3A_76, %get3A_77] : memref<2x768x3072xf32, #tpu.memory_space<vmem>>, vector<1x768x1536xf32>
      %get3A_79 = vector.shape_cast %get3A_78 : vector<1x768x1536xf32> to vector<768x1536xf32>
      %convert_element_type3A_80 = arith.truncf %get3A_79 : vector<768x1536xf32> to vector<768x1536xbf16>
      %convert_element_type3A_81 = arith.truncf %max3A_74 : vector<256x1536xf32> to vector<256x1536xbf16>
      %dot_general3A_82 = arith.constant dense<0.000000e+00> : vector<256x768xf32>
      %dot_general3A_83 = tpu.matmul %convert_element_type3A_81, %convert_element_type3A_80, %dot_general3A_82 {dimension_numbers = #tpu.dot_dimension_numbers<[1], [1], [0], [0], [0, 0, 1, 0], [], []>, transpose_lhs_hint = false} : vector<256x1536xbf16>, vector<768x1536xbf16>, vector<256x768xf32> -> vector<256x768xf32>
      %add3A_84 = arith.addf %add3A_56, %dot_general3A_83 : vector<256x768xf32>
      %reduce_max3A = arith.constant dense<0xFF800000> : vector<256xf32>
      %reduce_max3A_85 = vector.multi_reduction <maximumf>, %add3A_84, %reduce_max3A [1] : vector<256x768xf32> to vector<256xf32>
      %broadcast_in_dim3A_86 = vector.shape_cast %reduce_max3A_85 : vector<256xf32> to vector<256x1xf32>
      %sub3A = vector.broadcast %broadcast_in_dim3A_86 : vector<256x1xf32> to vector<256x768xf32>
      %sub3A_87 = arith.subf %add3A_84, %sub3A : vector<256x768xf32>
      %exp3A = math.exp %sub3A_87 : vector<256x768xf32>
      %reduce_sum3A = arith.constant dense<0.000000e+00> : vector<256xf32>
      %reduce_sum3A_88 = vector.multi_reduction <add>, %exp3A, %reduce_sum3A [1] : vector<256x768xf32> to vector<256xf32>
      %broadcast_in_dim3A_89 = vector.shape_cast %reduce_sum3A_88 : vector<256xf32> to vector<256x1xf32>
      %div3A = vector.broadcast %broadcast_in_dim3A_89 : vector<256x1xf32> to vector<256x768xf32>
      %div3A_90 = arith.divf %exp3A, %div3A : vector<256x768xf32>
      %swap3A = arith.constant 0 : index
      %swap3A_91 = arith.constant 0 : index
      %swap3A_92 = vector.load %arg12[%swap3A, %swap3A_91] : memref<256x768xf32, #tpu.memory_space<vmem>>, vector<256x768xf32>
      tpu.vector_store %arg12[%swap3A, %swap3A_91], %div3A_90 {strides = array<i32>} : memref<256x768xf32, #tpu.memory_space<vmem>>, vector<256x768xf32>,
    } else {
    }
    return
  }
  func.func @transform_0(%arg0: i32, %arg1: memref<24xi32, #tpu.memory_space<smem>>, %arg2: memref<24xi32, #tpu.memory_space<smem>>, %arg3: memref<8xi32, #tpu.memory_space<smem>>, %arg4: memref<1xi32, #tpu.memory_space<smem>>, %arg5: memref<24xi32, #tpu.memory_space<smem>>, %arg6: memref<24xi32, #tpu.memory_space<smem>>) -> (i32, i32) {
    %get3A = arith.index_cast %arg0 : i32 to index
    %get3A_0 = memref.load %arg6[%get3A] : memref<24xi32, #tpu.memory_space<smem>>
    %c0_i32 = arith.constant 0 : i32
    %c0_i32_1 = arith.constant 0 : i32
    return %get3A_0, %c0_i32 : i32, i32
  }
  func.func @transform_2(%arg0: i32, %arg1: memref<24xi32, #tpu.memory_space<smem>>, %arg2: memref<24xi32, #tpu.memory_space<smem>>, %arg3: memref<8xi32, #tpu.memory_space<smem>>, %arg4: memref<1xi32, #tpu.memory_space<smem>>, %arg5: memref<24xi32, #tpu.memory_space<smem>>, %arg6: memref<24xi32, #tpu.memory_space<smem>>) -> (i32, i32) {
    %c0_i32 = arith.constant 0 : i32
    %c0_i32_0 = arith.constant 0 : i32
    %c0_i32_1 = arith.constant 0 : i32
    return %c0_i32, %c0_i32_0 : i32, i32
  }
  func.func @transform_4(%arg0: i32, %arg1: memref<24xi32, #tpu.memory_space<smem>>, %arg2: memref<24xi32, #tpu.memory_space<smem>>, %arg3: memref<8xi32, #tpu.memory_space<smem>>, %arg4: memref<1xi32, #tpu.memory_space<smem>>, %arg5: memref<24xi32, #tpu.memory_space<smem>>, %arg6: memref<24xi32, #tpu.memory_space<smem>>) -> (i32, i32) {
    %c0_i32 = arith.constant 0 : i32
    %c0_i32_0 = arith.constant 0 : i32
    %c0_i32_1 = arith.constant 0 : i32
    return %c0_i32, %c0_i32_0 : i32, i32
  }
  func.func @transform_5(%arg0: i32, %arg1: memref<24xi32, #tpu.memory_space<smem>>, %arg2: memref<24xi32, #tpu.memory_space<smem>>, %arg3: memref<8xi32, #tpu.memory_space<smem>>, %arg4: memref<1xi32, #tpu.memory_space<smem>>, %arg5: memref<24xi32, #tpu.memory_space<smem>>, %arg6: memref<24xi32, #tpu.memory_space<smem>>) -> (i32, i32) {
    %get3A = arith.index_cast %arg0 : i32 to index
    %get3A_0 = memref.load %arg6[%get3A] : memref<24xi32, #tpu.memory_space<smem>>
    %c0_i32 = arith.constant 0 : i32
    %c0_i32_1 = arith.constant 0 : i32
    return %get3A_0, %c0_i32 : i32, i32
  }
}

module attributes {stable_mosaic.version = 14 : i64} {
  func.func @_combine_body(%arg0: i32, %arg1: memref<256x768xf32, #tpu.memory_space<vmem>>, %arg2: memref<256x768xf32, #tpu.memory_space<vmem>>, %arg3: memref<256x1xf32, #tpu.memory_space<vmem>>, %arg4: memref<256x1xf32, #tpu.memory_space<vmem>>, %arg5: memref<256x768xf32, #tpu.memory_space<vmem>>) attributes {dimension_semantics = [#tpu.dimension_semantics<arbitrary>], iteration_bounds = array<i64: 8>, scalar_prefetch = 0 : i64, scratch_operands = 0 : i64, tpu.core_type = #tpu.core_type<tc>, window_params = [{transform_indices = @transform_0, window_bounds = array<i64: 256, 768>}, {transform_indices = @transform_1, window_bounds = array<i64: 256, 768>}, {transform_indices = @transform_2, window_bounds = array<i64: 256, 1>}, {transform_indices = @transform_3, window_bounds = array<i64: 256, 1>}, {transform_indices = @transform_4, window_bounds = array<i64: 256, 768>}]} {
    %get3A = arith.constant 0 : index
    %get3A_0 = arith.constant 0 : index
    %get3A_1 = vector.load %arg3[%get3A, %get3A_0] : memref<256x1xf32, #tpu.memory_space<vmem>>, vector<256x1xf32>
    %get3A_2 = arith.constant 0 : index
    %get3A_3 = arith.constant 0 : index
    %get3A_4 = vector.load %arg1[%get3A_2, %get3A_3] : memref<256x768xf32, #tpu.memory_space<vmem>>, vector<256x768xf32>
    %mul3A = vector.broadcast %get3A_1 : vector<256x1xf32> to vector<256x768xf32>
    %mul3A_5 = arith.mulf %mul3A, %get3A_4 : vector<256x768xf32>
    %get3A_6 = arith.constant 0 : index
    %get3A_7 = arith.constant 0 : index
    %get3A_8 = vector.load %arg4[%get3A_6, %get3A_7] : memref<256x1xf32, #tpu.memory_space<vmem>>, vector<256x1xf32>
    %get3A_9 = arith.constant 0 : index
    %get3A_10 = arith.constant 0 : index
    %get3A_11 = vector.load %arg2[%get3A_9, %get3A_10] : memref<256x768xf32, #tpu.memory_space<vmem>>, vector<256x768xf32>
    %mul3A_12 = vector.broadcast %get3A_8 : vector<256x1xf32> to vector<256x768xf32>
    %mul3A_13 = arith.mulf %mul3A_12, %get3A_11 : vector<256x768xf32>
    %add3A = arith.addf %mul3A_5, %mul3A_13 : vector<256x768xf32>
    %eq3A = arith.constant 0.000000e+00 : f32
    %eq3A_14 = vector.broadcast %eq3A : f32 to vector<256x768xf32>
    %eq3A_15 = arith.cmpf oeq, %add3A, %eq3A_14 : vector<256x768xf32>
    %jit3A = arith.constant 2.22044605E-16 : f32
    %broadcast_in_dim3A = vector.broadcast %jit3A : f32 to vector<256x768xf32>
    %select_n3A = arith.select %eq3A_15, %broadcast_in_dim3A, %add3A : vector<256x768xi1>, vector<256x768xf32>
    %log3A = math.log %select_n3A : vector<256x768xf32>
    %swap3A = arith.constant 0 : index
    %swap3A_16 = arith.constant 0 : index
    %swap3A_17 = vector.load %arg5[%swap3A, %swap3A_16] : memref<256x768xf32, #tpu.memory_space<vmem>>, vector<256x768xf32>
    tpu.vector_store %arg5[%swap3A, %swap3A_16], %log3A {strides = array<i32>} : memref<256x768xf32, #tpu.memory_space<vmem>>, vector<256x768xf32>,
    return
  }
  func.func @transform_0(%arg0: i32) -> (i32, i32) {
    %c0_i32 = arith.constant 0 : i32
    %c0_i32_0 = arith.constant 0 : i32
    return %arg0, %c0_i32 : i32, i32
  }
  func.func @transform_1(%arg0: i32) -> (i32, i32) {
    %c0_i32 = arith.constant 0 : i32
    %c0_i32_0 = arith.constant 0 : i32
    return %arg0, %c0_i32 : i32, i32
  }
  func.func @transform_2(%arg0: i32) -> (i32, i32) {
    %c0_i32 = arith.constant 0 : i32
    %c0_i32_0 = arith.constant 0 : i32
    return %arg0, %c0_i32 : i32, i32
  }
  func.func @transform_3(%arg0: i32) -> (i32, i32) {
    %add3A = arith.constant 8 : i32
    %add3A_0 = arith.addi %add3A, %arg0 : i32
    %c0_i32 = arith.constant 0 : i32
    %c0_i32_1 = arith.constant 0 : i32
    return %add3A_0, %c0_i32 : i32, i32
  }
  func.func @transform_4(%arg0: i32) -> (i32, i32) {
    %c0_i32 = arith.constant 0 : i32
    %c0_i32_0 = arith.constant 0 : i32
    return %arg0, %c0_i32 : i32, i32
  }
}

</mosaic_0001>

<sc_bundles>
// kernel: kernel.10.cloned.1.call-start
scs
__scs_entry_jumppad:
0x0: {  	(pc) =	sbr.rel $0x88, $3  }
0x1: {  	(tag) =	ssettag $0x0;
	lr =	simm.s32 $0x1  }
0x2: {  	[smem:$0x3F9B] =	sst lr;
	_ =	strace $0xD0000000  }
0x3: {  	_ = 	snop  }
0x4: {  	_ = 	snop  }
0x5: {  	_ = 	snop  }
0x6: {  	_ = 	snop  }
0x7: {  	_ = 	snop  }
__scs_overlays_trampoline_lowered:
0x8: {  	[smem:$0x3FAA] =	sst s0  }
0x9: {  	[smem:$0x3FAB] =	sst s1  }
0xa: {  	[smem:$0x3FAC] =	sst s2  }
0xb: {  	[smem:$0x3FAD] =	sst s3  }
0xc: {  	[smem:$0x3FAE] =	sst s4  }
0xd: {  	[smem:$0x3FAF] =	sst s5  }
0xe: {  	[smem:$0x3FB0] =	sst s6  }
0xf: {  	[smem:$0x3FB1] =	sst s7  }
0x10: {  	[smem:$0x3FB2] =	sst s8  }
0x11: {  	[smem:$0x3FB3] =	sst s9;
	s0 =	simm.s32 @!p0 $0x0  }
0x12: {  	s1 =	sld [smem:$0x3F99];
	s0 =	simm.s32 @p0 $0x1  }
0x13: {  	[smem:$0x3FB4] =	sst s0;
	s0 =	simm.s32 @!p1 $0x0  }
0x14: {  	s2 =	sld [smem:$0x3F98];
	s0 =	simm.s32 @p1 $0x1  }
0x15: {  	[smem:$0x3FB5] =	sst s0;
	s0 =	simm.s32 @!p2 $0x0  }
0x16: {  	s3 =	sld [smem:$0x3FDB];
	s0 =	simm.s32 @p2 $0x1  }
0x17: {  	s4 =	simm.s32 $0x1BF5;
	[smem:$0x3FB7] =	sst s0  }
0x18: {  	s0 =	sld [smem:$0x3F9A];
	_ =	swait.ge [sflag:s4], $0x0  }
0x19: {  	s7 =	sld [smem:$0x3F9B]  }
0x1a: {  	s8 =	sadd.s32 $0xFFFFE003, lr  }
0x1b: {  	s9 =	sadd.s32 $0xFFFFFEF7, lr;
	s5 =	simm.s32 $0xFFFFFFFF;
	p2 =	slt.u32 s8, $0xFFFFF086  }
0x1c: {  	p1 =	slt.u32 s9, $0xF7A;
	s5 =	simm.s32 @!p2 $0x0  }
0x1d: {  	s5 =	simm.s32 @p1 $0x1;
	p0 =	seq.s32 s7, s2  }
0x1e: {  	s7 =	smul.u32 @!p0 $0xF7A, s2;
	p2 =	seq.s32 @!p0 s5, $0x0  }
0x1f: {  	s9 =	smul.u32 $0xF7A, s1;
	s8 =	simm.s32 @!p0 $0x1BF5;
	p2 =	por !p2, p0  }
0x20: {  	[sflag:s8] =	ssyncset.s32 @!p0 $0xFFFFF086;
	s6 =	sadd.s32 @!p0 s3, s7;
	s7 =	simm.s32 @!p0 $0x108  }
0x21: {  	s3 =	sadd.s32 s3, s9;
	s6 =	sadd.s32 @!p0 $0x88, s6;
	s7 =	simm.s32 @p2 $0x1082  }
0x22: {  	[simem:s7], [sflag:s8] =	dma.local @!p0 [hbm:s6], $0xF7A  }
0x23: {  	s9 =	sor.u32 $0xD0000000, s2;
	s6 =	simm.s32 $0x108;
	_ =	swait.ge @!p0 [sflag:s8], $0x0  }
0x24: {  	s3 =	sadd.s32 $0x88, s3;
	s6 =	simm.s32 @!p1 $0x1082;
	[sflag:s4] =	ssyncset.s32 $0xFFFFF086  }
0x25: {  	[simem:s6], [sflag:s4] =	dma.local [hbm:s3], $0xF7A  }
0x26: {  	[smem:$0x3F9B] =	sst s1;
	(tag) =	ssettag s2;
	_ =	strace s9  }
0x27: {  	s1 =	sld [smem:$0x3FAB]  }
0x28: {  	s2 =	sld [smem:$0x3FAC]  }
0x29: {  	s4 =	sld [smem:$0x3FAE]  }
0x2a: {  	p0 =	seq.s32 s5, $0x0;
	s5 =	sld [smem:$0x3FAF]  }
0x2b: {  	s6 =	sld [smem:$0x3FB0]  }
0x2c: {  	s7 =	sld [smem:$0x3FB1]  }
0x2d: {  	s3 =	simm.s32 $0x108;
	s8 =	sld [smem:$0x3FB2]  }
0x2e: {  	s3 =	simm.s32 @!p0 $0x1082;
	s9 =	sld [smem:$0x3FB3]  }
0x2f: {  	lr =	sadd.s32 s0, s3;
	s0 =	sld [smem:$0x3FAA]  }
0x30: {  	s3 =	sld [smem:$0x3FAD]  }
0x31: {  	[smem:$0x3FB6] =	sst s10  }
0x32: {  	s10 =	sld [smem:$0x3FB4];
	_ =	sdelay $0x3  }
0x33: {  	p0 =	seq.s32 s10, $0x1;
	s10 =	sld [smem:$0x3FB6];
	_ =	sdelay $0x3  }
0x34: {  	[smem:$0x3FB6] =	sst s10  }
0x35: {  	s10 =	sld [smem:$0x3FB5];
	_ =	sdelay $0x3  }
0x36: {  	p1 =	seq.s32 s10, $0x1;
	s10 =	sld [smem:$0x3FB6];
	_ =	sdelay $0x3  }
0x37: {  	[smem:$0x3FB6] =	sst s10  }
0x38: {  	s10 =	sld [smem:$0x3FB7]  }
0x39: {  	_ = 	snop;
	(pc) =	sbr.ind lr, $3  }
0x3a: {  	_ = 	snop  }
0x3b: {  	_ = 	snop  }
0x3c: {  	p2 =	seq.s32 s10, $0x1;
	s10 =	sld [smem:$0x3FB6]  }
0x3d: {  	_ =	shalt  }
0x3e: {  	_ =	shalt  }
0x3f: {  	_ =	shalt  }
0x40: {  	_ =	shalt  }
0x41: {  	_ =	shalt  }
0x42: {  	_ =	shalt  }
0x43: {  	_ =	shalt  }
0x44: {  	_ =	shalt  }
0x45: {  	_ =	shalt  }
0x46: {  	_ =	shalt  }
0x47: {  	_ =	shalt  }
0x48: {  	_ =	shalt  }
0x49: {  	_ =	shalt  }
0x4a: {  	_ =	shalt  }
0x4b: {  	_ =	shalt  }
0x4c: {  	_ =	shalt  }
0x4d: {  	_ =	shalt  }
0x4e: {  	_ =	shalt  }
0x4f: {  	_ =	shalt  }
0x50: {  	_ =	shalt  }
0x51: {  	_ =	shalt  }
0x52: {  	_ =	shalt  }
0x53: {  	_ =	shalt  }
0x54: {  	_ =	shalt  }
0x55: {  	_ =	shalt  }
0x56: {  	_ =	shalt  }
0x57: {  	_ =	shalt  }
0x58: {  	_ =	shalt  }
0x59: {  	_ =	shalt  }
0x5a: {  	_ =	shalt  }
0x5b: {  	_ =	shalt  }
0x5c: {  	_ =	shalt  }
0x5d: {  	_ =	shalt  }
0x5e: {  	_ =	shalt  }
0x5f: {  	_ =	shalt  }
0x60: {  	_ =	shalt  }
0x61: {  	_ =	shalt  }
0x62: {  	_ =	shalt  }
0x63: {  	_ =	shalt  }
0x64: {  	_ =	shalt  }
0x65: {  	_ =	shalt  }
0x66: {  	_ =	shalt  }
0x67: {  	_ =	shalt  }
0x68: {  	_ =	shalt  }
0x69: {  	_ =	shalt  }
0x6a: {  	_ =	shalt  }
0x6b: {  	_ =	shalt  }
0x6c: {  	_ =	shalt  }
0x6d: {  	_ =	shalt  }
0x6e: {  	_ =	shalt  }
0x6f: {  	_ =	shalt  }
0x70: {  	_ =	shalt  }
0x71: {  	_ =	shalt  }
0x72: {  	_ =	shalt  }
0x73: {  	_ =	shalt  }
0x74: {  	_ =	shalt  }
0x75: {  	_ =	shalt  }
0x76: {  	_ =	shalt  }
0x77: {  	_ =	shalt  }
0x78: {  	_ =	shalt  }
0x79: {  	_ =	shalt  }
0x7a: {  	_ =	shalt  }
0x7b: {  	_ =	shalt  }
0x7c: {  	_ =	shalt  }
0x7d: {  	_ =	shalt  }
0x7e: {  	_ =	shalt  }
0x7f: {  	_ =	shalt  }
0x80: {  	_ =	shalt  }
0x81: {  	_ =	shalt  }
0x82: {  	_ =	shalt  }
0x83: {  	_ =	shalt  }
0x84: {  	_ =	shalt  }
0x85: {  	_ =	shalt  }
0x86: {  	_ =	shalt  }
0x87: {  	_ =	shalt  }
.Lfunc_end0:
.L_simem_size_0:
called_computation.1_lowered:
.L_overlay_start_0:
0x88: {  	s2 =	sld [smem:$0x3FD9]  }
0x89: {  	s3 =	sld [smem:$0x3FFE];
	_ =	sdelay $0x1  }
0x8a: {  	s1 =	srdreg.scid  }
0x8b: {  	s0 =	sand.u32 $0x1, s1  }
0x8c: {  	s17 =	sshll.u32 s0, $0xA;
	s2 =	sadd.s32 s3, s2  }
0x8d: {  	s2 =	sadd.s32 s2, s17  }
0x8e: {  	[smem:$0x3FC2] =	sst s2  }
0x8f: {  	_ = 	snop  }
0x90: {  	s2 =	sld [smem:$0x3FD0];
	(tm) =	ssettm $0x1  }
0x91: {  	s18 =	sld [smem:$0x3FFB];
	_ =	sdelay $0x3  }
0x92: {  	_ =	strace s18  }
0x93: {  	s3 =	sld [smem:$0x3FFC];
	_ =	sdelay $0x3  }
0x94: {  	_ =	strace s3  }
0x95: {  	s3 =	sld [smem:$0x3FFD];
	_ =	sdelay $0x3  }
0x96: {  	_ =	strace s3  }
0x97: {  	_ =	strace $0x8FFFFFFF  }
0x98: {  	s19 =	sld [smem:$0x3FDB];
	_ =	sdelay $0x1  }
0x99: {  	s4 =	simm.s32 $_scs_section_size  }
0x9a: {  	s5 =	simm.s32 $_size__tile_overlayer_lowered;
	s6 =	simm.s32 $_tile_overlayer_lowered  }
0x9b: {  	s22 =	simm.s32 $0x1BFF;
	s21 =	sshll.u32 s6, $0x1;
	s3 =	sadd.s32 s4, s19  }
0x9c: {  	s7 =	simm.s32 $0x0;
	s20 =	sshll.u32 s5, $0x1;
	s5 =	sadd.s32 s21, s3  }
0x9d: {  	[timem:s7], [sflag:s22] =	dma.local [hbm:s5], s20  }
0x9e: {  	_ =	swait.ge [sflag:s22], s20  }
0x9f: {  	s4 =	ssub.s32 $0x0, s20;
	[sflag:s22] =	ssyncset.done $0x0  }
0xa0: {  	[sflag:s22] =	ssyncadd.s32 s4;
	_ =	sdelay $0x1  }
0xa1: {  	s23 =	simm.s32 $0x1B8B  }
0xa2: {  	_ =	swait.ge [sflag:s23], $0x1  }
0xa3: {  	[sflag:s23] =	ssyncset.done $0x0  }
0xa4: {  	s25 =	simm.s32 $0x1B8E;
	s24 =	sld [smem:$0x3FFE];
	[sflag:s23] =	ssyncadd.s32 $0xFFFFFFFF  }
0xa5: {  	s26 =	simm.s32 $execute0_lowered;
	[smem:$0x3FD2] =	sst s25  }
0xa6: {  	s5 =	sshll.u32 s26, $0x1;
	_ =	strace $0x80000049;
	[dreg:$0x1] =	wrdreg $0xFFFFFFFF  }
0xa7: {  	s28 =	simm.s32 $_size_execute0_lowered;
	s3 =	sadd.s32 s3, s5;
	[dreg:$0x0] =	wrdreg $0x0  }
0xa8: {  	s5 =	sshll.u32 s28, $0x1;
	[dreg:$0x2] =	wrdreg s3  }
0xa9: {  	[dreg:$0x3] =	wrdreg s5  }
0xaa: {  	[dreg:$0x4] =	wrdreg $0xC0  }
0xab: {  	_ =	task [dreg:s7], $0x5FFFF  }
0xac: {  	[dreg:$0x1] =	wrdreg $0xFFFFFFFF  }
0xad: {  	[dreg:$0x0] =	wrdreg $0x60  }
0xae: {  	[dreg:$0x2] =	wrdreg s24  }
0xaf: {  	[dreg:$0x3] =	wrdreg s2  }
0xb0: {  	[dreg:$0x4] =	wrdreg $0x9  }
0xb1: {  	_ =	task.clear_ibuf [dreg:s7], $0x5FFFF;
	_ =	strace $0x90000049  }
0xb2: {  	s29 =	simm.s32 $0x9;
	_ =	strace $0x8000004B  }
0xb3: {  	_ =	swait.ge [sflag:s29], $0x1  }
0xb4: {  	[sflag:s29] =	ssyncadd.s32 $0xFFFFFFFF  }
0xb5: {  	_ =	strace $0x9000004B  }
0xb6: {  	_ =	sfence  }
0xb7: {  	s30 =	sld [smem:$0x0];
	_ =	sdelay $0x2  }
0xb8: {  	s31 =	sshll.u32 s1, $0xD;
	s1 =	sshrl.u32 s1, $0x2  }
0xb9: {  	s3 =	sand.u32 $0x4000, s31;
	s1 =	sadd.s32 s1, s30  }
0xba: {  	s0 =	sor.u32 s3, s0;
	s1 =	sshll.u32 s1, $0x11  }
0xbb: {  	s0 =	sor.u32 s1, s0  }
0xbc: {  	s0 =	sadd.s32 $0x8F2B, s0  }
0xbd: {  	[sflag:s0] =	ssyncadd.remote.s32 $0x1  }
0xbe: {  	_ =	sfence.sel $0xFFFF  }
0xbf: {  	[dreg:$0x0] =	wrdreg $0xFFFFFFFF;
	(pc) =	sbr.abs _section_cstart, $3  }
0xc0: {  	[dreg:$0x1] =	wrdreg $0xFFFFFFFF  }
0xc1: {  	_ =	task.clear_ibuf [dreg:s7], $0x2FFFF;
	_ =	strace $0x9FFFFFFF  }
0xc2: {  	(tm) =	ssettm $0x7FFFFFFF  }
0xc3: {  	_ =	shalt  }
tec
execute0_lowered:
.L_overlay_start_1:
0x0: {  	(tag) =	ssettag $0x1  }
0x1: {  	s2 =	srdreg.scid;
	s1 =	rddreg [dreg:$0x0]  }
0x2: {  	s3 =	rddreg [dreg:$0x1];
	s4 =	sand.u32 $0x1, s2;
	s2 =	simm.s32 $0x0  }
0x3: {  	s23 =	simm.s32 $0x80;
	[smem:$0x7FF] =	sst s2  }
0x4: {  	s24 =	simm.s32 $0x900;
	_ =	strace $0x8000004A;
	[dreg:$0x7] =	wrdreg s23  }
0x5: {  	s25 =	simm.s32 $0x1100;
	[dreg:$0x8] =	wrdreg s24  }
0x6: {  	s0 =	stileid.u32;
	s26 =	simm.s32 $0x1900;
	[dreg:$0x9] =	wrdreg s25  }
0x7: {  	s5 =	sshll.u32 s0, $0x4;
	s0 =	simm.s32 $0x2100;
	[dreg:$0xa] =	wrdreg s26  }
0x8: {  	s8 =	simm.s32 $0x4100;
	[dreg:$0xb] =	wrdreg s0  }
0x9: {  	s9 =	simm.s32 $0x4900;
	[dreg:$0xf] =	wrdreg s8  }
0xa: {  	s10 =	simm.s32 $0x5100;
	[dreg:$0x10] =	wrdreg s9  }
0xb: {  	s11 =	simm.s32 $0x5900;
	[dreg:$0x11] =	wrdreg s10  }
0xc: {  	s12 =	simm.s32 $0x6100;
	s13 =	simm.s32 $0x6900;
	[dreg:$0x12] =	wrdreg s11  }
0xd: {  	s14 =	simm.s32 $0x7100;
	s15 =	simm.s32 $0x7900;
	[dreg:$0x13] =	wrdreg s12  }
0xe: {  	s16 =	simm.s32 $0x8100;
	s17 =	simm.s32 $0x8900;
	[dreg:$0x14] =	wrdreg s13  }
0xf: {  	s18 =	simm.s32 $0x9100;
	s20 =	simm.s32 $0x9900;
	[dreg:$0x15] =	wrdreg s14  }
0x10: {  	s28 =	simm.s32 $0x15900;
	s29 =	simm.s32 $0x16100;
	[dreg:$0x16] =	wrdreg s15  }
0x11: {  	s30 =	simm.s32 $0x16900;
	s31 =	simm.s32 $0x17100;
	[dreg:$0x17] =	wrdreg s16  }
0x12: {  	s6 =	sshll.u32 s4, $0x3;
	s4 =	ssub.s32 $0x2, s4;
	[dreg:$0x18] =	wrdreg s17  }
0x13: {  	s5 =	sor.u32 s6, s5;
	s19 =	sshrl.u32 s4, $0x1;
	[dreg:$0x19] =	wrdreg s18  }
0x14: {  	[dreg:$0x1a] =	wrdreg s20;
	s23 =	simm.s32 $0xB100;
	s24 =	simm.s32 $0xB900  }
0x15: {  	s25 =	simm.s32 $0xC900;
	s8 =	simm.s32 $0x100;
	s26 =	simm.s32 $0xD100  }
0x16: {  	s9 =	simm.s32 $0x2;
	s10 =	simm.s32 $0xC100;
	s13 =	simm.s32 $0xE900  }
0x17: {  	s14 =	simm.s32 $0xF100;
	s15 =	simm.s32 $0xF900;
	[dreg:$0x1d] =	wrdreg s23  }
0x18: {  	s16 =	simm.s32 $0x10100;
	s17 =	simm.s32 $0x10900;
	[dreg:$0x1e] =	wrdreg s24  }
0x19: {  	s18 =	simm.s32 $0x11100;
	s6 =	sadd.s32 s5, s1;
	[dreg:$0x1f] =	wrdreg s25  }
0x1a: {  	s5 =	smul.u32 $0x300, s5;
	[smem:$0x7FD] =	sst s26;
	s7 =	sadd.s32 $0x10000, s6  }
0x1b: {  	s20 =	simm.s32 $0x12100;
	s6 =	sadd.s32 $0x10100, s6;
	[dreg:$0x3] =	wrdreg s7  }
0x1c: {  	s23 =	simm.s32 $0x13900;
	[dreg:$0x4] =	wrdreg s6;
	s3 =	sadd.s32 s3, s5  }
0x1d: {  	s21 =	sadd.s32 s5, s1;
	s5 =	simm.s32 $0x2900;
	[dreg:$0x5] =	wrdreg s3  }
0x1e: {  	s24 =	simm.s32 $0x14100;
	s6 =	simm.s32 $0x3100;
	[dreg:$0xc] =	wrdreg s5  }
0x1f: {  	s25 =	simm.s32 $0x14900;
	s7 =	simm.s32 $0x3900;
	[dreg:$0xd] =	wrdreg s6  }
0x20: {  	s26 =	simm.s32 $0x15100;
	s22 =	sadd.s32 $0x10200, s21;
	[dreg:$0xe] =	wrdreg s7  }
0x21: {  	s3 =	sadd.s32 $0xA0C00, s1;
	s6 =	ssub.s32 s4, s19;
	s21 =	simm.s32 $0xA100  }
0x22: {  	s4 =	sadd.s32 $0xA0D00, s1;
	s5 =	sadd.s32 $0xA0E00, s1;
	s7 =	simm.s32 $0x1  }
0x23: {  	v2 =	vlaneseq.u32;
	s19 =	simm.s32 $0x11900;
	s1 =	simm.s32 $0x17900;
	[dreg:$0x6] =	wrdreg s22  }
0x24: {  	vm0 =	vmmov $0xffff;
	v1 =	vshrl.u32 v2, $0x3;
	[dreg:$0x1b] =	wrdreg s21;
	s22 =	simm.s32 $0xA900;
	s6 =	smax.u32 s6, $0x1  }
0x25: {  	v0 =	vand.u32 $0x7, v2;
	v2 =	vor.u32 $0x8, v2;
	v1 =	vmul.u32 $0x8, v1;
	s21 =	simm.s32 $0x12900;
	[dreg:$0x1c] =	wrdreg s22;
	s22 =	simm.s32 $0x13100  }
.LBB2_1:
0x26: {  	s0 =	rddreg [dreg:$0x3]  }
0x27: {  	s11 =	rddreg [dreg:$0x4]  }
0x28: {  	[tilespmem:s2], [sflag:$0x1] =	stream.linear.gather [hbm4b:s0+s2], $0x40, $0x38;
	[tilespmem:$0x18100] =	vst v63  }
0x29: {  	s12 =	rddreg [dreg:$0x7]  }
0x2a: {  	[tilespmem:s12], [sflag:$0x2] =	stream.linear.gather [hbm4b:s11+s2], $0x40, $0x38;
	[tilespmem:$0x18100] =	vst v63  }
0x2b: {  	_ =	swait.ge [sflag:s7], $0x40  }
0x2c: {  	[sflag:s7] =	ssyncset.done $0x0  }
0x2d: {  	[sflag:s7] =	ssyncadd.s32 $0xFFFFFFC0  }
0x2e: {  	v3 =	vld [tilespmem:$0x0];
	_ =	sdelay $0x4  }
0x2f: {  	v4 =	vshrl.u32 v3, $0x3  }
0x30: {  	v4 =	vmul.u32 $0x30, v4  }
0x31: {  	v3 =	vand.u32 $0x7, v3  }
0x32: {  	v3 =	vor.u32 v3, v4  }
0x33: {  	v4 =	vperm.xlane v3, v0;
	_ =	sdelay $0x1  }
0x34: {  	v4 =	vadd.s32 v1, v4;
	_ =	sdelay $0x3  }
0x35: {  	v3 =	vperm.xlane v3, v2  }
0x36: {  	[tilespmem:s8], [sflag:$0x1] =	stream.indirect_vreg.gather [hbm4b:s3+s2], $0x80, v4, vm0, $0xb8;
	[tilespmem:$0x18100] =	vst v63  }
0x37: {  	s12 =	rddreg [dreg:$0x8];
	v3 =	vadd.s32 v1, v3  }
0x38: {  	[tilespmem:s12], [sflag:$0x1] =	stream.indirect_vreg.gather [hbm4b:s4+s2], $0x80, v4, vm0, $0xb8;
	[tilespmem:$0x18100] =	vst v63  }
0x39: {  	s11 =	rddreg [dreg:$0x9]  }
0x3a: {  	[tilespmem:s11], [sflag:$0x1] =	stream.indirect_vreg.gather [hbm4b:s5+s2], $0x80, v4, vm0, $0xb8;
	[tilespmem:$0x18100] =	vst v63  }
0x3b: {  	s12 =	rddreg [dreg:$0xa]  }
0x3c: {  	[tilespmem:s12], [sflag:$0x1] =	stream.indirect_vreg.gather [hbm4b:s3+s2], $0x80, v3, vm0, $0xb8;
	[tilespmem:$0x18100] =	vst v63  }
0x3d: {  	s11 =	rddreg [dreg:$0xb]  }
0x3e: {  	[tilespmem:s11], [sflag:$0x1] =	stream.indirect_vreg.gather [hbm4b:s4+s2], $0x80, v3, vm0, $0xb8;
	[tilespmem:$0x18100] =	vst v63  }
0x3f: {  	s12 =	rddreg [dreg:$0xc]  }
0x40: {  	[tilespmem:s12], [sflag:$0x1] =	stream.indirect_vreg.gather [hbm4b:s5+s2], $0x80, v3, vm0, $0xb8;
	[tilespmem:$0x18100] =	vst v63  }
0x41: {  	v3 =	vld [tilespmem:$0x10];
	_ =	sdelay $0x4  }
0x42: {  	v57 =	vshrl.u32 v3, $0x3  }
0x43: {  	v4 =	vmul.u32 $0x30, v57  }
0x44: {  	v3 =	vand.u32 $0x7, v3  }
0x45: {  	v3 =	vor.u32 v3, v4  }
0x46: {  	v4 =	vperm.xlane v3, v0;
	_ =	sdelay $0x1  }
0x47: {  	v4 =	vadd.s32 v1, v4;
	_ =	sdelay $0x3  }
0x48: {  	s11 =	rddreg [dreg:$0xd];
	v3 =	vperm.xlane v3, v2  }
0x49: {  	[tilespmem:s11], [sflag:$0x1] =	stream.indirect_vreg.gather [hbm4b:s3+s2], $0x80, v4, vm0, $0xb8;
	[tilespmem:$0x18100] =	vst v63  }
0x4a: {  	s12 =	rddreg [dreg:$0xe];
	v3 =	vadd.s32 v1, v3  }
0x4b: {  	[tilespmem:s12], [sflag:$0x1] =	stream.indirect_vreg.gather [hbm4b:s4+s2], $0x80, v4, vm0, $0xb8;
	[tilespmem:$0x18100] =	vst v63  }
0x4c: {  	s0 =	rddreg [dreg:$0xf]  }
0x4d: {  	[tilespmem:s0], [sflag:$0x1] =	stream.indirect_vreg.gather [hbm4b:s5+s2], $0x80, v4, vm0, $0xb8;
	[tilespmem:$0x18100] =	vst v63  }
0x4e: {  	s12 =	rddreg [dreg:$0x10]  }
0x4f: {  	[tilespmem:s12], [sflag:$0x1] =	stream.indirect_vreg.gather [hbm4b:s3+s2], $0x80, v3, vm0, $0xb8;
	[tilespmem:$0x18100] =	vst v63  }
0x50: {  	s0 =	rddreg [dreg:$0x11]  }
0x51: {  	[tilespmem:s0], [sflag:$0x1] =	stream.indirect_vreg.gather [hbm4b:s4+s2], $0x80, v3, vm0, $0xb8;
	[tilespmem:$0x18100] =	vst v63  }
0x52: {  	s12 =	rddreg [dreg:$0x12]  }
0x53: {  	[tilespmem:s12], [sflag:$0x1] =	stream.indirect_vreg.gather [hbm4b:s5+s2], $0x80, v3, vm0, $0xb8;
	[tilespmem:$0x18100] =	vst v63  }
0x54: {  	v3 =	vld [tilespmem:$0x20];
	_ =	sdelay $0x4  }
0x55: {  	v58 =	vshrl.u32 v3, $0x3  }
0x56: {  	v4 =	vmul.u32 $0x30, v58  }
0x57: {  	v3 =	vand.u32 $0x7, v3  }
0x58: {  	v3 =	vor.u32 v3, v4  }
0x59: {  	v4 =	vperm.xlane v3, v0;
	_ =	sdelay $0x1  }
0x5a: {  	v4 =	vadd.s32 v1, v4;
	_ =	sdelay $0x3  }
0x5b: {  	s11 =	rddreg [dreg:$0x13];
	v3 =	vperm.xlane v3, v2  }
0x5c: {  	[tilespmem:s11], [sflag:$0x1] =	stream.indirect_vreg.gather [hbm4b:s3+s2], $0x80, v4, vm0, $0xb8;
	[tilespmem:$0x18100] =	vst v63  }
0x5d: {  	s12 =	rddreg [dreg:$0x14];
	v3 =	vadd.s32 v1, v3  }
0x5e: {  	[tilespmem:s12], [sflag:$0x1] =	stream.indirect_vreg.gather [hbm4b:s4+s2], $0x80, v4, vm0, $0xb8;
	[tilespmem:$0x18100] =	vst v63  }
0x5f: {  	s0 =	rddreg [dreg:$0x15]  }
0x60: {  	[tilespmem:s0], [sflag:$0x1] =	stream.indirect_vreg.gather [hbm4b:s5+s2], $0x80, v4, vm0, $0xb8;
	[tilespmem:$0x18100] =	vst v63  }
0x61: {  	s12 =	rddreg [dreg:$0x16]  }
0x62: {  	[tilespmem:s12], [sflag:$0x1] =	stream.indirect_vreg.gather [hbm4b:s3+s2], $0x80, v3, vm0, $0xb8;
	[tilespmem:$0x18100] =	vst v63  }
0x63: {  	s0 =	rddreg [dreg:$0x17]  }
0x64: {  	[tilespmem:s0], [sflag:$0x1] =	stream.indirect_vreg.gather [hbm4b:s4+s2], $0x80, v3, vm0, $0xb8;
	[tilespmem:$0x18100] =	vst v63  }
0x65: {  	s12 =	rddreg [dreg:$0x18]  }
0x66: {  	[tilespmem:s12], [sflag:$0x1] =	stream.indirect_vreg.gather [hbm4b:s5+s2], $0x80, v3, vm0, $0xb8;
	[tilespmem:$0x18100] =	vst v63  }
0x67: {  	v3 =	vld [tilespmem:$0x30];
	_ =	sdelay $0x4  }
0x68: {  	v59 =	vshrl.u32 v3, $0x3  }
0x69: {  	v4 =	vmul.u32 $0x30, v59  }
0x6a: {  	v3 =	vand.u32 $0x7, v3  }
0x6b: {  	v3 =	vor.u32 v3, v4  }
0x6c: {  	v4 =	vperm.xlane v3, v0;
	_ =	sdelay $0x1  }
0x6d: {  	v4 =	vadd.s32 v1, v4;
	_ =	sdelay $0x3  }
0x6e: {  	s11 =	rddreg [dreg:$0x19];
	v3 =	vperm.xlane v3, v2  }
0x6f: {  	[tilespmem:s11], [sflag:$0x1] =	stream.indirect_vreg.gather [hbm4b:s3+s2], $0x80, v4, vm0, $0xb8;
	[tilespmem:$0x18100] =	vst v63  }
0x70: {  	s12 =	rddreg [dreg:$0x1a];
	v3 =	vadd.s32 v1, v3  }
0x71: {  	[tilespmem:s12], [sflag:$0x1] =	stream.indirect_vreg.gather [hbm4b:s4+s2], $0x80, v4, vm0, $0xb8;
	[tilespmem:$0x18100] =	vst v63  }
0x72: {  	s0 =	rddreg [dreg:$0x1b]  }
0x73: {  	[tilespmem:s0], [sflag:$0x1] =	stream.indirect_vreg.gather [hbm4b:s5+s2], $0x80, v4, vm0, $0xb8;
	[tilespmem:$0x18100] =	vst v63  }
0x74: {  	s12 =	rddreg [dreg:$0x1c]  }
0x75: {  	[tilespmem:s12], [sflag:$0x1] =	stream.indirect_vreg.gather [hbm4b:s3+s2], $0x80, v3, vm0, $0xb8;
	[tilespmem:$0x18100] =	vst v63  }
0x76: {  	s0 =	rddreg [dreg:$0x1d]  }
0x77: {  	[tilespmem:s0], [sflag:$0x1] =	stream.indirect_vreg.gather [hbm4b:s4+s2], $0x80, v3, vm0, $0xb8;
	[tilespmem:$0x18100] =	vst v63  }
0x78: {  	s12 =	rddreg [dreg:$0x1e]  }
0x79: {  	[tilespmem:s12], [sflag:$0x1] =	stream.indirect_vreg.gather [hbm4b:s5+s2], $0x80, v3, vm0, $0xb8;
	[tilespmem:$0x18100] =	vst v63  }
0x7a: {  	_ =	swait.ge [sflag:s9], $0x40  }
0x7b: {  	[sflag:s9] =	ssyncset.done $0x0  }
0x7c: {  	[sflag:s9] =	ssyncadd.s32 $0xFFFFFFC0  }
0x7d: {  	v3 =	vld [tilespmem:$0x80];
	_ =	sdelay $0x4  }
0x7e: {  	v60 =	vshrl.u32 v3, $0x3  }
0x7f: {  	v4 =	vmul.u32 $0x30, v60  }
0x80: {  	v3 =	vand.u32 $0x7, v3  }
0x81: {  	v3 =	vor.u32 v3, v4  }
0x82: {  	v4 =	vperm.xlane v3, v0;
	_ =	sdelay $0x1  }
0x83: {  	v4 =	vadd.s32 v1, v4;
	_ =	sdelay $0x3  }
0x84: {  	s11 =	rddreg [dreg:$0x1f];
	v3 =	vperm.xlane v3, v2  }
0x85: {  	[tilespmem:s10], [sflag:$0x2] =	stream.indirect_vreg.gather [hbm4b:s3+s2], $0x80, v4, vm0, $0xb8;
	[tilespmem:$0x18100] =	vst v63  }
0x86: {  	s12 =	sld [smem:$0x7FD];
	v3 =	vadd.s32 v1, v3  }
0x87: {  	[tilespmem:s11], [sflag:$0x2] =	stream.indirect_vreg.gather [hbm4b:s4+s2], $0x80, v4, vm0, $0xb8;
	[tilespmem:$0x18100] =	vst v63  }
0x88: {  	_ = 	snop  }
0x89: {  	[tilespmem:s12], [sflag:$0x2] =	stream.indirect_vreg.gather [hbm4b:s5+s2], $0x80, v4, vm0, $0xb8;
	[tilespmem:$0x18100] =	vst v63  }
0x8a: {  	s11 =	simm.s32 $0xD900  }
0x8b: {  	[tilespmem:s11], [sflag:$0x2] =	stream.indirect_vreg.gather [hbm4b:s3+s2], $0x80, v3, vm0, $0xb8;
	[tilespmem:$0x18100] =	vst v63  }
0x8c: {  	s12 =	simm.s32 $0xE100  }
0x8d: {  	[tilespmem:s12], [sflag:$0x2] =	stream.indirect_vreg.gather [hbm4b:s4+s2], $0x80, v3, vm0, $0xb8;
	[tilespmem:$0x18100] =	vst v63  }
0x8e: {  	_ = 	snop  }
0x8f: {  	[tilespmem:s13], [sflag:$0x2] =	stream.indirect_vreg.gather [hbm4b:s5+s2], $0x80, v3, vm0, $0xb8;
	[tilespmem:$0x18100] =	vst v63  }
0x90: {  	v3 =	vld [tilespmem:$0x90];
	_ =	sdelay $0x4  }
0x91: {  	v61 =	vshrl.u32 v3, $0x3  }
0x92: {  	v4 =	vmul.u32 $0x30, v61  }
0x93: {  	v3 =	vand.u32 $0x7, v3  }
0x94: {  	v3 =	vor.u32 v3, v4  }
0x95: {  	v4 =	vperm.xlane v3, v0;
	_ =	sdelay $0x1  }
0x96: {  	v4 =	vadd.s32 v1, v4;
	_ =	sdelay $0x3  }
0x97: {  	v3 =	vperm.xlane v3, v2  }
0x98: {  	[tilespmem:s14], [sflag:$0x2] =	stream.indirect_vreg.gather [hbm4b:s3+s2], $0x80, v4, vm0, $0xb8;
	[tilespmem:$0x18100] =	vst v63  }
0x99: {  	v3 =	vadd.s32 v1, v3  }
0x9a: {  	[tilespmem:s15], [sflag:$0x2] =	stream.indirect_vreg.gather [hbm4b:s4+s2], $0x80, v4, vm0, $0xb8;
	[tilespmem:$0x18100] =	vst v63  }
0x9b: {  	_ = 	snop  }
0x9c: {  	[tilespmem:s16], [sflag:$0x2] =	stream.indirect_vreg.gather [hbm4b:s5+s2], $0x80, v4, vm0, $0xb8;
	[tilespmem:$0x18100] =	vst v63  }
0x9d: {  	_ = 	snop  }
0x9e: {  	[tilespmem:s17], [sflag:$0x2] =	stream.indirect_vreg.gather [hbm4b:s3+s2], $0x80, v3, vm0, $0xb8;
	[tilespmem:$0x18100] =	vst v63  }
0x9f: {  	_ = 	snop  }
0xa0: {  	[tilespmem:s18], [sflag:$0x2] =	stream.indirect_vreg.gather [hbm4b:s4+s2], $0x80, v3, vm0, $0xb8;
	[tilespmem:$0x18100] =	vst v63  }
0xa1: {  	_ = 	snop  }
0xa2: {  	[tilespmem:s19], [sflag:$0x2] =	stream.indirect_vreg.gather [hbm4b:s5+s2], $0x80, v3, vm0, $0xb8;
	[tilespmem:$0x18100] =	vst v63  }
0xa3: {  	v3 =	vld [tilespmem:$0xA0];
	_ =	sdelay $0x4  }
0xa4: {  	v62 =	vshrl.u32 v3, $0x3  }
0xa5: {  	v4 =	vmul.u32 $0x30, v62  }
0xa6: {  	v3 =	vand.u32 $0x7, v3  }
0xa7: {  	v3 =	vor.u32 v3, v4  }
0xa8: {  	v4 =	vperm.xlane v3, v0;
	_ =	sdelay $0x1  }
0xa9: {  	v4 =	vadd.s32 v1, v4;
	_ =	sdelay $0x3  }
0xaa: {  	v3 =	vperm.xlane v3, v2  }
0xab: {  	[tilespmem:s20], [sflag:$0x2] =	stream.indirect_vreg.gather [hbm4b:s3+s2], $0x80, v4, vm0, $0xb8;
	[tilespmem:$0x18100] =	vst v63  }
0xac: {  	v3 =	vadd.s32 v1, v3  }
0xad: {  	[tilespmem:s21], [sflag:$0x2] =	stream.indirect_vreg.gather [hbm4b:s4+s2], $0x80, v4, vm0, $0xb8;
	[tilespmem:$0x18100] =	vst v63  }
0xae: {  	_ = 	snop  }
0xaf: {  	[tilespmem:s22], [sflag:$0x2] =	stream.indirect_vreg.gather [hbm4b:s5+s2], $0x80, v4, vm0, $0xb8;
	[tilespmem:$0x18100] =	vst v63  }
0xb0: {  	_ = 	snop  }
0xb1: {  	[tilespmem:s23], [sflag:$0x2] =	stream.indirect_vreg.gather [hbm4b:s3+s2], $0x80, v3, vm0, $0xb8;
	[tilespmem:$0x18100] =	vst v63  }
0xb2: {  	_ = 	snop  }
0xb3: {  	[tilespmem:s24], [sflag:$0x2] =	stream.indirect_vreg.gather [hbm4b:s4+s2], $0x80, v3, vm0, $0xb8;
	[tilespmem:$0x18100] =	vst v63  }
0xb4: {  	_ = 	snop  }
0xb5: {  	[tilespmem:s25], [sflag:$0x2] =	stream.indirect_vreg.gather [hbm4b:s5+s2], $0x80, v3, vm0, $0xb8;
	[tilespmem:$0x18100] =	vst v63  }
0xb6: {  	v3 =	vld [tilespmem:$0xB0];
	_ =	sdelay $0x4  }
0xb7: {  	v63 =	vshrl.u32 v3, $0x3  }
0xb8: {  	v4 =	vmul.u32 $0x30, v63  }
0xb9: {  	v3 =	vand.u32 $0x7, v3  }
0xba: {  	v3 =	vor.u32 v3, v4  }
0xbb: {  	v4 =	vperm.xlane v3, v0;
	_ =	sdelay $0x1  }
0xbc: {  	v4 =	vadd.s32 v1, v4;
	_ =	sdelay $0x3  }
0xbd: {  	v3 =	vperm.xlane v3, v2  }
0xbe: {  	[tilespmem:s26], [sflag:$0x2] =	stream.indirect_vreg.gather [hbm4b:s3+s2], $0x80, v4, vm0, $0xb8;
	[tilespmem:$0x18100] =	vst v63  }
0xbf: {  	v3 =	vadd.s32 v1, v3  }
0xc0: {  	[tilespmem:s28], [sflag:$0x2] =	stream.indirect_vreg.gather [hbm4b:s4+s2], $0x80, v4, vm0, $0xb8;
	[tilespmem:$0x18100] =	vst v63  }
0xc1: {  	_ = 	snop  }
0xc2: {  	[tilespmem:s29], [sflag:$0x2] =	stream.indirect_vreg.gather [hbm4b:s5+s2], $0x80, v4, vm0, $0xb8;
	[tilespmem:$0x18100] =	vst v63  }
0xc3: {  	_ = 	snop  }
0xc4: {  	[tilespmem:s30], [sflag:$0x2] =	stream.indirect_vreg.gather [hbm4b:s3+s2], $0x80, v3, vm0, $0xb8;
	[tilespmem:$0x18100] =	vst v63  }
0xc5: {  	_ = 	snop  }
0xc6: {  	[tilespmem:s31], [sflag:$0x2] =	stream.indirect_vreg.gather [hbm4b:s4+s2], $0x80, v3, vm0, $0xb8;
	[tilespmem:$0x18100] =	vst v63  }
0xc7: {  	_ = 	snop  }
0xc8: {  	[tilespmem:s1], [sflag:$0x2] =	stream.indirect_vreg.gather [hbm4b:s5+s2], $0x80, v3, vm0, $0xb8;
	[tilespmem:$0x18100] =	vst v63  }
0xc9: {  	_ =	swait.ge [sflag:s7], $0xC000  }
0xca: {  	[sflag:s7] =	ssyncset.done $0x0  }
0xcb: {  	s11 =	rddreg [dreg:$0x5];
	[sflag:s7] =	ssyncadd.s32 $0xFFFF4000  }
0xcc: {  	[hbm4b:s11+s2] =	stream.linear.scatter [tilespmem:s8], [sflag:$0x1], $0xC000, $0x38;
	[tilespmem:$0x18100] =	vst v63  }
0xcd: {  	_ =	swait.ge [sflag:s9], $0xC000  }
0xce: {  	[sflag:s9] =	ssyncset.done $0x0  }
0xcf: {  	s12 =	rddreg [dreg:$0x6];
	[sflag:s9] =	ssyncadd.s32 $0xFFFF4000  }
0xd0: {  	[hbm4b:s12+s2] =	stream.linear.scatter [tilespmem:s10], [sflag:$0x2], $0xC000, $0x38;
	[tilespmem:$0x18100] =	vst v63  }
0xd1: {  	p0 =	sne.s32 s6, $0x1;
	_ =	swait.ge [sflag:s7], $0xC000  }
.Ltmp0:
0xd2: {  	[sflag:s7] =	ssyncset.done $0x0;
	(pc) =	sbr.rel @p0 .LBB2_1-.Ltmp0, $4  }
0xd3: {  	[sflag:s7] =	ssyncadd.s32 $0xFFFF4000  }
0xd4: {  	_ =	swait.ge [sflag:s9], $0xC000  }
0xd5: {  	[sflag:s9] =	ssyncset.done $0x0  }
0xd6: {  	s6 =	sadd.s32 $0xFFFFFFFF, s6;
	[sflag:s9] =	ssyncadd.s32 $0xFFFF4000  }
0xd7: {  	_ =	sfence.sel $0x180000  }
0xd8: {  	[bflag:$0x0] =	sbarrier.arrive $0xFFFF  }
0xd9: {  	_ =	strace $0x9000004A  }
0xda: {  	s0 =	stileid.u32;
	[bflag:$0x2] =	sbarrier.arrive $0xFFFF  }
0xdb: {  	p0 =	sne.s32 s0, $0x0;
	s0 =	rddreg [dreg:$0x2]  }
0xdc: {  	s0 =	sadd.s32 @!p0 $0x100000, s0  }
0xdd: {  	[sflag:s0] =	ssyncadd.tile.s32 @!p0 $0x1;
	_ =	shalt  }
.Lfunc_end2:
_tile_overlayer_lowered:
.L_overlay_start_2:
0xde: {  	(tag) =	ssettag $0x2  }
0xdf: {  	s0 =	rddreg [dreg:$0x0];
	s2 =	stileid.u32  }
0xe0: {  	s1 =	rddreg [dreg:$0x1];
	p0 =	sne.s32 s2, $0x0  }
0xe1: {  	s3 =	rddreg [dreg:$0x2];
	[bflag:$0x3] =	sbarrier.arrive $0xFFFF;
	s2 =	simm.s32 @!p0 $0x1C03  }
0xe2: {  	[timem:s3], [sflag:s2] =	dma.local @!p0 [hbm:s0], s1  }
0xe3: {  	s0 =	simm.s32 @!p0 $0x3  }
0xe4: {  	_ =	swait.ge @!p0 [sflag:s0], s1  }
0xe5: {  	s1 =	ssub.s32 @!p0 $0x0, s1;
	[sflag:s0] =	ssyncset.done @!p0 $0x0  }
0xe6: {  	[sflag:s0] =	ssyncadd.s32 @!p0 s1  }
0xe7: {  	[bflag:$0x3] =	sbarrier.arrive $0xFFFF  }
0xe8: {  	_ =	shalt  }

// kernel: kernel.7.cloned.1.call-start
scs
__scs_entry_jumppad:
0x0: {  	(pc) =	sbr.rel $0x88, $3  }
0x1: {  	(tag) =	ssettag $0x0;
	lr =	simm.s32 $0x1  }
0x2: {  	[smem:$0x3F9B] =	sst lr;
	_ =	strace $0xD0000000  }
0x3: {  	_ = 	snop  }
0x4: {  	_ = 	snop  }
0x5: {  	_ = 	snop  }
0x6: {  	_ = 	snop  }
0x7: {  	_ = 	snop  }
__scs_overlays_trampoline_lowered:
0x8: {  	[smem:$0x3FAA] =	sst s0  }
0x9: {  	[smem:$0x3FAB] =	sst s1  }
0xa: {  	[smem:$0x3FAC] =	sst s2  }
0xb: {  	[smem:$0x3FAD] =	sst s3  }
0xc: {  	[smem:$0x3FAE] =	sst s4  }
0xd: {  	[smem:$0x3FAF] =	sst s5  }
0xe: {  	[smem:$0x3FB0] =	sst s6  }
0xf: {  	[smem:$0x3FB1] =	sst s7  }
0x10: {  	[smem:$0x3FB2] =	sst s8  }
0x11: {  	[smem:$0x3FB3] =	sst s9;
	s0 =	simm.s32 @!p0 $0x0  }
0x12: {  	s1 =	sld [smem:$0x3F99];
	s0 =	simm.s32 @p0 $0x1  }
0x13: {  	[smem:$0x3FB4] =	sst s0;
	s0 =	simm.s32 @!p1 $0x0  }
0x14: {  	s2 =	sld [smem:$0x3F98];
	s0 =	simm.s32 @p1 $0x1  }
0x15: {  	[smem:$0x3FB5] =	sst s0;
	s0 =	simm.s32 @!p2 $0x0  }
0x16: {  	s3 =	sld [smem:$0x3FDB];
	s0 =	simm.s32 @p2 $0x1  }
0x17: {  	s4 =	simm.s32 $0x1BF5;
	[smem:$0x3FB7] =	sst s0  }
0x18: {  	s0 =	sld [smem:$0x3F9A];
	_ =	swait.ge [sflag:s4], $0x0  }
0x19: {  	s7 =	sld [smem:$0x3F9B]  }
0x1a: {  	s8 =	sadd.s32 $0xFFFFE003, lr  }
0x1b: {  	s9 =	sadd.s32 $0xFFFFFEF7, lr;
	s5 =	simm.s32 $0xFFFFFFFF;
	p2 =	slt.u32 s8, $0xFFFFF086  }
0x1c: {  	p1 =	slt.u32 s9, $0xF7A;
	s5 =	simm.s32 @!p2 $0x0  }
0x1d: {  	s5 =	simm.s32 @p1 $0x1;
	p0 =	seq.s32 s7, s2  }
0x1e: {  	s7 =	smul.u32 @!p0 $0xF7A, s2;
	p2 =	seq.s32 @!p0 s5, $0x0  }
0x1f: {  	s9 =	smul.u32 $0xF7A, s1;
	s8 =	simm.s32 @!p0 $0x1BF5;
	p2 =	por !p2, p0  }
0x20: {  	[sflag:s8] =	ssyncset.s32 @!p0 $0xFFFFF086;
	s6 =	sadd.s32 @!p0 s3, s7;
	s7 =	simm.s32 @!p0 $0x108  }
0x21: {  	s3 =	sadd.s32 s3, s9;
	s6 =	sadd.s32 @!p0 $0x88, s6;
	s7 =	simm.s32 @p2 $0x1082  }
0x22: {  	[simem:s7], [sflag:s8] =	dma.local @!p0 [hbm:s6], $0xF7A  }
0x23: {  	s9 =	sor.u32 $0xD0000000, s2;
	s6 =	simm.s32 $0x108;
	_ =	swait.ge @!p0 [sflag:s8], $0x0  }
0x24: {  	s3 =	sadd.s32 $0x88, s3;
	s6 =	simm.s32 @!p1 $0x1082;
	[sflag:s4] =	ssyncset.s32 $0xFFFFF086  }
0x25: {  	[simem:s6], [sflag:s4] =	dma.local [hbm:s3], $0xF7A  }
0x26: {  	[smem:$0x3F9B] =	sst s1;
	(tag) =	ssettag s2;
	_ =	strace s9  }
0x27: {  	s1 =	sld [smem:$0x3FAB]  }
0x28: {  	s2 =	sld [smem:$0x3FAC]  }
0x29: {  	s4 =	sld [smem:$0x3FAE]  }
0x2a: {  	p0 =	seq.s32 s5, $0x0;
	s5 =	sld [smem:$0x3FAF]  }
0x2b: {  	s6 =	sld [smem:$0x3FB0]  }
0x2c: {  	s7 =	sld [smem:$0x3FB1]  }
0x2d: {  	s3 =	simm.s32 $0x108;
	s8 =	sld [smem:$0x3FB2]  }
0x2e: {  	s3 =	simm.s32 @!p0 $0x1082;
	s9 =	sld [smem:$0x3FB3]  }
0x2f: {  	lr =	sadd.s32 s0, s3;
	s0 =	sld [smem:$0x3FAA]  }
0x30: {  	s3 =	sld [smem:$0x3FAD]  }
0x31: {  	[smem:$0x3FB6] =	sst s10  }
0x32: {  	s10 =	sld [smem:$0x3FB4];
	_ =	sdelay $0x3  }
0x33: {  	p0 =	seq.s32 s10, $0x1;
	s10 =	sld [smem:$0x3FB6];
	_ =	sdelay $0x3  }
0x34: {  	[smem:$0x3FB6] =	sst s10  }
0x35: {  	s10 =	sld [smem:$0x3FB5];
	_ =	sdelay $0x3  }
0x36: {  	p1 =	seq.s32 s10, $0x1;
	s10 =	sld [smem:$0x3FB6];
	_ =	sdelay $0x3  }
0x37: {  	[smem:$0x3FB6] =	sst s10  }
0x38: {  	s10 =	sld [smem:$0x3FB7]  }
0x39: {  	_ = 	snop;
	(pc) =	sbr.ind lr, $3  }
0x3a: {  	_ = 	snop  }
0x3b: {  	_ = 	snop  }
0x3c: {  	p2 =	seq.s32 s10, $0x1;
	s10 =	sld [smem:$0x3FB6]  }
0x3d: {  	_ =	shalt  }
0x3e: {  	_ =	shalt  }
0x3f: {  	_ =	shalt  }
0x40: {  	_ =	shalt  }
0x41: {  	_ =	shalt  }
0x42: {  	_ =	shalt  }
0x43: {  	_ =	shalt  }
0x44: {  	_ =	shalt  }
0x45: {  	_ =	shalt  }
0x46: {  	_ =	shalt  }
0x47: {  	_ =	shalt  }
0x48: {  	_ =	shalt  }
0x49: {  	_ =	shalt  }
0x4a: {  	_ =	shalt  }
0x4b: {  	_ =	shalt  }
0x4c: {  	_ =	shalt  }
0x4d: {  	_ =	shalt  }
0x4e: {  	_ =	shalt  }
0x4f: {  	_ =	shalt  }
0x50: {  	_ =	shalt  }
0x51: {  	_ =	shalt  }
0x52: {  	_ =	shalt  }
0x53: {  	_ =	shalt  }
0x54: {  	_ =	shalt  }
0x55: {  	_ =	shalt  }
0x56: {  	_ =	shalt  }
0x57: {  	_ =	shalt  }
0x58: {  	_ =	shalt  }
0x59: {  	_ =	shalt  }
0x5a: {  	_ =	shalt  }
0x5b: {  	_ =	shalt  }
0x5c: {  	_ =	shalt  }
0x5d: {  	_ =	shalt  }
0x5e: {  	_ =	shalt  }
0x5f: {  	_ =	shalt  }
0x60: {  	_ =	shalt  }
0x61: {  	_ =	shalt  }
0x62: {  	_ =	shalt  }
0x63: {  	_ =	shalt  }
0x64: {  	_ =	shalt  }
0x65: {  	_ =	shalt  }
0x66: {  	_ =	shalt  }
0x67: {  	_ =	shalt  }
0x68: {  	_ =	shalt  }
0x69: {  	_ =	shalt  }
0x6a: {  	_ =	shalt  }
0x6b: {  	_ =	shalt  }
0x6c: {  	_ =	shalt  }
0x6d: {  	_ =	shalt  }
0x6e: {  	_ =	shalt  }
0x6f: {  	_ =	shalt  }
0x70: {  	_ =	shalt  }
0x71: {  	_ =	shalt  }
0x72: {  	_ =	shalt  }
0x73: {  	_ =	shalt  }
0x74: {  	_ =	shalt  }
0x75: {  	_ =	shalt  }
0x76: {  	_ =	shalt  }
0x77: {  	_ =	shalt  }
0x78: {  	_ =	shalt  }
0x79: {  	_ =	shalt  }
0x7a: {  	_ =	shalt  }
0x7b: {  	_ =	shalt  }
0x7c: {  	_ =	shalt  }
0x7d: {  	_ =	shalt  }
0x7e: {  	_ =	shalt  }
0x7f: {  	_ =	shalt  }
0x80: {  	_ =	shalt  }
0x81: {  	_ =	shalt  }
0x82: {  	_ =	shalt  }
0x83: {  	_ =	shalt  }
0x84: {  	_ =	shalt  }
0x85: {  	_ =	shalt  }
0x86: {  	_ =	shalt  }
0x87: {  	_ =	shalt  }
.Lfunc_end0:
.L_simem_size_0:
called_computation_lowered:
.L_overlay_start_0:
0x88: {  	s2 =	sld [smem:$0x3FD9]  }
0x89: {  	s3 =	sld [smem:$0x3FFE];
	_ =	sdelay $0x1  }
0x8a: {  	s1 =	srdreg.scid  }
0x8b: {  	s0 =	sand.u32 $0x1, s1  }
0x8c: {  	s17 =	sshll.u32 s0, $0xA;
	s2 =	sadd.s32 s3, s2  }
0x8d: {  	s2 =	sadd.s32 s2, s17  }
0x8e: {  	[smem:$0x3FC2] =	sst s2  }
0x8f: {  	_ = 	snop  }
0x90: {  	s2 =	sld [smem:$0x3FC9];
	(tm) =	ssettm $0x1  }
0x91: {  	s18 =	sld [smem:$0x3FFB];
	_ =	sdelay $0x3  }
0x92: {  	_ =	strace s18  }
0x93: {  	s3 =	sld [smem:$0x3FFC];
	_ =	sdelay $0x3  }
0x94: {  	_ =	strace s3  }
0x95: {  	s3 =	sld [smem:$0x3FFD];
	_ =	sdelay $0x3  }
0x96: {  	_ =	strace s3  }
0x97: {  	_ =	strace $0x8FFFFFFF  }
0x98: {  	s19 =	sld [smem:$0x3FDB];
	_ =	sdelay $0x1  }
0x99: {  	s4 =	simm.s32 $_scs_section_size  }
0x9a: {  	s5 =	simm.s32 $_size__tile_overlayer_lowered;
	s6 =	simm.s32 $_tile_overlayer_lowered  }
0x9b: {  	s22 =	simm.s32 $0x1BFF;
	s21 =	sshll.u32 s6, $0x1;
	s3 =	sadd.s32 s4, s19  }
0x9c: {  	s7 =	simm.s32 $0x0;
	s20 =	sshll.u32 s5, $0x1;
	s5 =	sadd.s32 s21, s3  }
0x9d: {  	[timem:s7], [sflag:s22] =	dma.local [hbm:s5], s20  }
0x9e: {  	_ =	swait.ge [sflag:s22], s20  }
0x9f: {  	s4 =	ssub.s32 $0x0, s20;
	[sflag:s22] =	ssyncset.done $0x0  }
0xa0: {  	[sflag:s22] =	ssyncadd.s32 s4;
	_ =	sdelay $0x1  }
0xa1: {  	s23 =	simm.s32 $0x1B8B  }
0xa2: {  	_ =	swait.ge [sflag:s23], $0x1  }
0xa3: {  	[sflag:s23] =	ssyncset.done $0x0  }
0xa4: {  	s25 =	simm.s32 $0x1B8E;
	s24 =	sld [smem:$0x3FFE];
	[sflag:s23] =	ssyncadd.s32 $0xFFFFFFFF  }
0xa5: {  	s26 =	simm.s32 $execute0_lowered;
	[smem:$0x3FD2] =	sst s25  }
0xa6: {  	s5 =	sshll.u32 s26, $0x1;
	_ =	strace $0x80000046;
	[dreg:$0x1] =	wrdreg $0xFFFFFFFF  }
0xa7: {  	s28 =	simm.s32 $_size_execute0_lowered;
	s3 =	sadd.s32 s3, s5;
	[dreg:$0x0] =	wrdreg $0x0  }
0xa8: {  	s5 =	sshll.u32 s28, $0x1;
	[dreg:$0x2] =	wrdreg s3  }
0xa9: {  	[dreg:$0x3] =	wrdreg s5  }
0xaa: {  	[dreg:$0x4] =	wrdreg $0xC0  }
0xab: {  	_ =	task [dreg:s7], $0x5FFFF  }
0xac: {  	[dreg:$0x1] =	wrdreg $0xFFFFFFFF  }
0xad: {  	[dreg:$0x0] =	wrdreg $0x60  }
0xae: {  	[dreg:$0x2] =	wrdreg s2  }
0xaf: {  	[dreg:$0x3] =	wrdreg s24  }
0xb0: {  	[dreg:$0x4] =	wrdreg $0x9  }
0xb1: {  	_ =	task.clear_ibuf [dreg:s7], $0x5FFFF;
	_ =	strace $0x90000046  }
0xb2: {  	s29 =	simm.s32 $0x9;
	_ =	strace $0x80000048  }
0xb3: {  	_ =	swait.ge [sflag:s29], $0x1  }
0xb4: {  	[sflag:s29] =	ssyncadd.s32 $0xFFFFFFFF  }
0xb5: {  	_ =	strace $0x90000048  }
0xb6: {  	_ =	sfence  }
0xb7: {  	s30 =	sld [smem:$0x0];
	_ =	sdelay $0x2  }
0xb8: {  	s31 =	sshll.u32 s1, $0xD;
	s1 =	sshrl.u32 s1, $0x2  }
0xb9: {  	s3 =	sand.u32 $0x4000, s31;
	s1 =	sadd.s32 s1, s30  }
0xba: {  	s0 =	sor.u32 s3, s0;
	s1 =	sshll.u32 s1, $0x11  }
0xbb: {  	s0 =	sor.u32 s1, s0  }
0xbc: {  	s0 =	sadd.s32 $0x8F2B, s0  }
0xbd: {  	[sflag:s0] =	ssyncadd.remote.s32 $0x1  }
0xbe: {  	_ =	sfence.sel $0xFFFF  }
0xbf: {  	[dreg:$0x0] =	wrdreg $0xFFFFFFFF;
	(pc) =	sbr.abs _section_cstart, $3  }
0xc0: {  	[dreg:$0x1] =	wrdreg $0xFFFFFFFF  }
0xc1: {  	_ =	task.clear_ibuf [dreg:s7], $0x2FFFF;
	_ =	strace $0x9FFFFFFF  }
0xc2: {  	(tm) =	ssettm $0x7FFFFFFF  }
0xc3: {  	_ =	shalt  }
tec
execute0_lowered:
.L_overlay_start_1:
0x0: {  	(tag) =	ssettag $0x1  }
0x1: {  	s1 =	srdreg.scid  }
0x2: {  	s0 =	stileid.u32;
	s4 =	sand.u32 $0x1, s1  }
0x3: {  	s5 =	rddreg [dreg:$0x0];
	s18 =	sshll.u32 s0, $0x5;
	s2 =	sshll.u32 s4, $0x4  }
0x4: {  	s1 =	rddreg [dreg:$0x1];
	s3 =	sor.u32 s2, s18;
	s2 =	simm.s32 $0x0  }
0x5: {  	s20 =	simm.s32 $0x80;
	[smem:$0x7FF] =	sst s2  }
0x6: {  	s21 =	simm.s32 $0x900;
	_ =	strace $0x80000047;
	[dreg:$0x7] =	wrdreg s20  }
0x7: {  	s22 =	simm.s32 $0x1100;
	[dreg:$0x8] =	wrdreg s21  }
0x8: {  	s23 =	simm.s32 $0x1900;
	[dreg:$0x9] =	wrdreg s22  }
0x9: {  	s24 =	simm.s32 $0x2100;
	[dreg:$0xa] =	wrdreg s23  }
0xa: {  	s25 =	simm.s32 $0x2900;
	[dreg:$0xb] =	wrdreg s24  }
0xb: {  	s26 =	simm.s32 $0x3100;
	[dreg:$0xc] =	wrdreg s25  }
0xc: {  	s8 =	simm.s32 $0x5900;
	s0 =	simm.s32 $0x3900;
	[dreg:$0xd] =	wrdreg s26  }
0xd: {  	s9 =	simm.s32 $0x6100;
	s10 =	simm.s32 $0x6900;
	[dreg:$0xe] =	wrdreg s0  }
0xe: {  	s11 =	simm.s32 $0x7100;
	s12 =	simm.s32 $0x7900;
	[dreg:$0x12] =	wrdreg s8  }
0xf: {  	s13 =	simm.s32 $0x8100;
	s14 =	simm.s32 $0x8900;
	[dreg:$0x13] =	wrdreg s9  }
0x10: {  	s15 =	simm.s32 $0x9100;
	s17 =	simm.s32 $0x9900;
	[dreg:$0x14] =	wrdreg s10  }
0x11: {  	s28 =	simm.s32 $0x16900;
	s29 =	simm.s32 $0x17100;
	[dreg:$0x15] =	wrdreg s11  }
0x12: {  	s30 =	simm.s32 $0x17900;
	s4 =	ssub.s32 $0x2, s4;
	[dreg:$0x16] =	wrdreg s12  }
0x13: {  	s31 =	simm.s32 $0x3;
	s16 =	sshrl.u32 s4, $0x1;
	[dreg:$0x17] =	wrdreg s13  }
0x14: {  	s18 =	simm.s32 $0xA100;
	s6 =	sand.u32 $0xF0, s3;
	[dreg:$0x18] =	wrdreg s14  }
0x15: {  	s3 =	sadd.s32 s3, s1;
	s7 =	smul.u32 $0x1800, s6;
	[dreg:$0x19] =	wrdreg s15  }
0x16: {  	s6 =	smul.u32 $0x300, s6;
	s19 =	sadd.s32 $0x10000, s3;
	[dreg:$0x1a] =	wrdreg s17  }
0x17: {  	s3 =	sadd.s32 $0x10008, s3;
	[dreg:$0x1b] =	wrdreg s18;
	s20 =	simm.s32 $0xB100  }
0x18: {  	s21 =	simm.s32 $0xB900;
	s22 =	simm.s32 $0xC900;
	[dreg:$0x5] =	wrdreg s19  }
0x19: {  	s8 =	simm.s32 $0xC100;
	s23 =	simm.s32 $0xD100;
	[dreg:$0x6] =	wrdreg s3  }
0x1a: {  	s9 =	simm.s32 $0x5;
	s24 =	simm.s32 $0xD900;
	[dreg:$0x1d] =	wrdreg s20  }
0x1b: {  	s10 =	simm.s32 $0x1;
	s25 =	simm.s32 $0xE100;
	[dreg:$0x1e] =	wrdreg s21  }
0x1c: {  	s11 =	simm.s32 $0x2;
	s26 =	simm.s32 $0xE900;
	[dreg:$0x1f] =	wrdreg s22  }
0x1d: {  	s13 =	simm.s32 $0xF900;
	s14 =	simm.s32 $0x10100;
	[smem:$0x7FA] =	sst s23  }
0x1e: {  	s15 =	simm.s32 $0x10900;
	s17 =	simm.s32 $0x11900;
	[smem:$0x7FB] =	sst s24  }
0x1f: {  	s18 =	simm.s32 $0x12100;
	s3 =	sadd.s32 $0x10200, s1;
	[smem:$0x7FC] =	sst s25  }
0x20: {  	s19 =	simm.s32 $0xA900;
	[smem:$0x7FD] =	sst s26;
	s20 =	simm.s32 $0x13100  }
0x21: {  	s21 =	simm.s32 $0x13900;
	s22 =	simm.s32 $0x14100;
	s23 =	simm.s32 $0x14900  }
0x22: {  	s24 =	simm.s32 $0x15100;
	s25 =	simm.s32 $0x15900;
	s26 =	simm.s32 $0x16100  }
0x23: {  	s7 =	sshrl.u32 s7, $0x3;
	s6 =	sadd.s32 s5, s6;
	[dreg:$0x1c] =	wrdreg s19  }
0x24: {  	s19 =	simm.s32 $0x12900;
	[dreg:$0x3] =	wrdreg s6;
	s6 =	simm.s32 $0x4900  }
0x25: {  	s5 =	sadd.s32 s5, s7;
	s7 =	simm.s32 $0x5100;
	[dreg:$0x10] =	wrdreg s6  }
0x26: {  	s5 =	sadd.s32 $0x1800, s5;
	[dreg:$0x11] =	wrdreg s7;
	s6 =	ssub.s32 s4, s16  }
0x27: {  	v2 =	vlaneseq.u32;
	s4 =	sadd.s32 $0x10300, s1;
	s7 =	simm.s32 $0x100;
	s16 =	simm.s32 $0x11100  }
0x28: {  	vm0 =	vmmov $0xffff;
	v1 =	vshrl.u32 v2, $0x3;
	[dreg:$0x4] =	wrdreg s5;
	s5 =	simm.s32 $0x4100;
	s6 =	smax.u32 s6, $0x1  }
0x29: {  	v0 =	vand.u32 $0x7, v2;
	v2 =	vor.u32 $0x8, v2;
	v1 =	vmul.u32 $0x8, v1;
	[dreg:$0xf] =	wrdreg s5;
	s5 =	sadd.s32 $0x10400, s1;
	s1 =	simm.s32 $0x4  }
.LBB2_1:
0x2a: {  	s0 =	rddreg [dreg:$0x3]  }
0x2b: {  	[tilespmem:s7], [sflag:$0x1] =	stream.linear.gather [hbm4b:s0+s2], $0xC000, $0x38;
	[tilespmem:$0x18100] =	vst v63  }
0x2c: {  	s12 =	rddreg [dreg:$0x4]  }
0x2d: {  	[tilespmem:s8], [sflag:$0x2] =	stream.linear.gather [hbm4b:s12+s2], $0xC000, $0x38;
	[tilespmem:$0x18100] =	vst v63  }
0x2e: {  	s0 =	rddreg [dreg:$0x5]  }
0x2f: {  	[tilespmem:s2], [sflag:$0x5] =	stream.linear.gather [hbm4b:s0+s2], $0x40, $0x38;
	[tilespmem:$0x18100] =	vst v63  }
0x30: {  	_ =	swait.ge [sflag:s9], $0x40  }
0x31: {  	s0 =	rddreg [dreg:$0x6];
	[sflag:s9] =	ssyncset.done $0x0  }
0x32: {  	s12 =	rddreg [dreg:$0x7];
	[sflag:s9] =	ssyncadd.s32 $0xFFFFFFC0  }
0x33: {  	[tilespmem:s12], [sflag:$0x5] =	stream.linear.gather [hbm4b:s0+s2], $0x40, $0x38;
	[tilespmem:$0x18100] =	vst v63  }
0x34: {  	_ =	swait.ge [sflag:s9], $0x40  }
0x35: {  	[sflag:s9] =	ssyncset.done $0x0  }
0x36: {  	[sflag:s9] =	ssyncadd.s32 $0xFFFFFFC0  }
0x37: {  	_ =	swait.ge [sflag:s10], $0xC000  }
0x38: {  	[sflag:s10] =	ssyncset.done $0x0  }
0x39: {  	[sflag:s10] =	ssyncadd.s32 $0xFFFF4000  }
0x3a: {  	v3 =	vld [tilespmem:$0x0];
	_ =	sdelay $0x4  }
0x3b: {  	v4 =	vshrl.u32 v3, $0x3  }
0x3c: {  	v4 =	vmul.u32 $0x30, v4  }
0x3d: {  	v3 =	vand.u32 $0x7, v3  }
0x3e: {  	v3 =	vor.u32 v3, v4  }
0x3f: {  	v4 =	vperm.xlane v3, v0;
	_ =	sdelay $0x1  }
0x40: {  	v4 =	vadd.s32 v1, v4;
	_ =	sdelay $0x3  }
0x41: {  	v3 =	vperm.xlane v3, v2  }
0x42: {  	[hbm4b:s3+s2] =	stream.indirect_vreg.scatter [tilespmem:s7], [sflag:$0x3], $0x80, v4, vm0, $0xb8;
	[tilespmem:$0x18100] =	vst v63  }
0x43: {  	s0 =	rddreg [dreg:$0x8];
	v3 =	vadd.s32 v1, v3  }
0x44: {  	[hbm4b:s4+s2] =	stream.indirect_vreg.scatter [tilespmem:s0], [sflag:$0x3], $0x80, v4, vm0, $0xb8;
	[tilespmem:$0x18100] =	vst v63  }
0x45: {  	s12 =	rddreg [dreg:$0x9]  }
0x46: {  	[hbm4b:s5+s2] =	stream.indirect_vreg.scatter [tilespmem:s12], [sflag:$0x3], $0x80, v4, vm0, $0xb8;
	[tilespmem:$0x18100] =	vst v63  }
0x47: {  	s0 =	rddreg [dreg:$0xa]  }
0x48: {  	[hbm4b:s3+s2] =	stream.indirect_vreg.scatter [tilespmem:s0], [sflag:$0x3], $0x80, v3, vm0, $0xb8;
	[tilespmem:$0x18100] =	vst v63  }
0x49: {  	s12 =	rddreg [dreg:$0xb]  }
0x4a: {  	[hbm4b:s4+s2] =	stream.indirect_vreg.scatter [tilespmem:s12], [sflag:$0x3], $0x80, v3, vm0, $0xb8;
	[tilespmem:$0x18100] =	vst v63  }
0x4b: {  	s0 =	rddreg [dreg:$0xc]  }
0x4c: {  	[hbm4b:s5+s2] =	stream.indirect_vreg.scatter [tilespmem:s0], [sflag:$0x3], $0x80, v3, vm0, $0xb8;
	[tilespmem:$0x18100] =	vst v63  }
0x4d: {  	v3 =	vld [tilespmem:$0x10];
	_ =	sdelay $0x4  }
0x4e: {  	v57 =	vshrl.u32 v3, $0x3  }
0x4f: {  	v4 =	vmul.u32 $0x30, v57  }
0x50: {  	v3 =	vand.u32 $0x7, v3  }
0x51: {  	v3 =	vor.u32 v3, v4  }
0x52: {  	v4 =	vperm.xlane v3, v0;
	_ =	sdelay $0x1  }
0x53: {  	v4 =	vadd.s32 v1, v4;
	_ =	sdelay $0x3  }
0x54: {  	s0 =	rddreg [dreg:$0xd];
	v3 =	vperm.xlane v3, v2  }
0x55: {  	[hbm4b:s3+s2] =	stream.indirect_vreg.scatter [tilespmem:s0], [sflag:$0x3], $0x80, v4, vm0, $0xb8;
	[tilespmem:$0x18100] =	vst v63  }
0x56: {  	s12 =	rddreg [dreg:$0xe];
	v3 =	vadd.s32 v1, v3  }
0x57: {  	[hbm4b:s4+s2] =	stream.indirect_vreg.scatter [tilespmem:s12], [sflag:$0x3], $0x80, v4, vm0, $0xb8;
	[tilespmem:$0x18100] =	vst v63  }
0x58: {  	s0 =	rddreg [dreg:$0xf]  }
0x59: {  	[hbm4b:s5+s2] =	stream.indirect_vreg.scatter [tilespmem:s0], [sflag:$0x3], $0x80, v4, vm0, $0xb8;
	[tilespmem:$0x18100] =	vst v63  }
0x5a: {  	s12 =	rddreg [dreg:$0x10]  }
0x5b: {  	[hbm4b:s3+s2] =	stream.indirect_vreg.scatter [tilespmem:s12], [sflag:$0x3], $0x80, v3, vm0, $0xb8;
	[tilespmem:$0x18100] =	vst v63  }
0x5c: {  	s0 =	rddreg [dreg:$0x11]  }
0x5d: {  	[hbm4b:s4+s2] =	stream.indirect_vreg.scatter [tilespmem:s0], [sflag:$0x3], $0x80, v3, vm0, $0xb8;
	[tilespmem:$0x18100] =	vst v63  }
0x5e: {  	s12 =	rddreg [dreg:$0x12]  }
0x5f: {  	[hbm4b:s5+s2] =	stream.indirect_vreg.scatter [tilespmem:s12], [sflag:$0x3], $0x80, v3, vm0, $0xb8;
	[tilespmem:$0x18100] =	vst v63  }
0x60: {  	v3 =	vld [tilespmem:$0x20];
	_ =	sdelay $0x4  }
0x61: {  	v58 =	vshrl.u32 v3, $0x3  }
0x62: {  	v4 =	vmul.u32 $0x30, v58  }
0x63: {  	v3 =	vand.u32 $0x7, v3  }
0x64: {  	v3 =	vor.u32 v3, v4  }
0x65: {  	v4 =	vperm.xlane v3, v0;
	_ =	sdelay $0x1  }
0x66: {  	v4 =	vadd.s32 v1, v4;
	_ =	sdelay $0x3  }
0x67: {  	s0 =	rddreg [dreg:$0x13];
	v3 =	vperm.xlane v3, v2  }
0x68: {  	[hbm4b:s3+s2] =	stream.indirect_vreg.scatter [tilespmem:s0], [sflag:$0x3], $0x80, v4, vm0, $0xb8;
	[tilespmem:$0x18100] =	vst v63  }
0x69: {  	s12 =	rddreg [dreg:$0x14];
	v3 =	vadd.s32 v1, v3  }
0x6a: {  	[hbm4b:s4+s2] =	stream.indirect_vreg.scatter [tilespmem:s12], [sflag:$0x3], $0x80, v4, vm0, $0xb8;
	[tilespmem:$0x18100] =	vst v63  }
0x6b: {  	s0 =	rddreg [dreg:$0x15]  }
0x6c: {  	[hbm4b:s5+s2] =	stream.indirect_vreg.scatter [tilespmem:s0], [sflag:$0x3], $0x80, v4, vm0, $0xb8;
	[tilespmem:$0x18100] =	vst v63  }
0x6d: {  	s12 =	rddreg [dreg:$0x16]  }
0x6e: {  	[hbm4b:s3+s2] =	stream.indirect_vreg.scatter [tilespmem:s12], [sflag:$0x3], $0x80, v3, vm0, $0xb8;
	[tilespmem:$0x18100] =	vst v63  }
0x6f: {  	s0 =	rddreg [dreg:$0x17]  }
0x70: {  	[hbm4b:s4+s2] =	stream.indirect_vreg.scatter [tilespmem:s0], [sflag:$0x3], $0x80, v3, vm0, $0xb8;
	[tilespmem:$0x18100] =	vst v63  }
0x71: {  	s12 =	rddreg [dreg:$0x18]  }
0x72: {  	[hbm4b:s5+s2] =	stream.indirect_vreg.scatter [tilespmem:s12], [sflag:$0x3], $0x80, v3, vm0, $0xb8;
	[tilespmem:$0x18100] =	vst v63  }
0x73: {  	v3 =	vld [tilespmem:$0x30];
	_ =	sdelay $0x4  }
0x74: {  	v59 =	vshrl.u32 v3, $0x3  }
0x75: {  	v4 =	vmul.u32 $0x30, v59  }
0x76: {  	v3 =	vand.u32 $0x7, v3  }
0x77: {  	v3 =	vor.u32 v3, v4  }
0x78: {  	v4 =	vperm.xlane v3, v0;
	_ =	sdelay $0x1  }
0x79: {  	v4 =	vadd.s32 v1, v4;
	_ =	sdelay $0x3  }
0x7a: {  	s0 =	rddreg [dreg:$0x19];
	v3 =	vperm.xlane v3, v2  }
0x7b: {  	[hbm4b:s3+s2] =	stream.indirect_vreg.scatter [tilespmem:s0], [sflag:$0x3], $0x80, v4, vm0, $0xb8;
	[tilespmem:$0x18100] =	vst v63  }
0x7c: {  	s12 =	rddreg [dreg:$0x1a];
	v3 =	vadd.s32 v1, v3  }
0x7d: {  	[hbm4b:s4+s2] =	stream.indirect_vreg.scatter [tilespmem:s12], [sflag:$0x3], $0x80, v4, vm0, $0xb8;
	[tilespmem:$0x18100] =	vst v63  }
0x7e: {  	s0 =	rddreg [dreg:$0x1b]  }
0x7f: {  	[hbm4b:s5+s2] =	stream.indirect_vreg.scatter [tilespmem:s0], [sflag:$0x3], $0x80, v4, vm0, $0xb8;
	[tilespmem:$0x18100] =	vst v63  }
0x80: {  	s12 =	rddreg [dreg:$0x1c]  }
0x81: {  	[hbm4b:s3+s2] =	stream.indirect_vreg.scatter [tilespmem:s12], [sflag:$0x3], $0x80, v3, vm0, $0xb8;
	[tilespmem:$0x18100] =	vst v63  }
0x82: {  	s0 =	rddreg [dreg:$0x1d]  }
0x83: {  	[hbm4b:s4+s2] =	stream.indirect_vreg.scatter [tilespmem:s0], [sflag:$0x3], $0x80, v3, vm0, $0xb8;
	[tilespmem:$0x18100] =	vst v63  }
0x84: {  	s12 =	rddreg [dreg:$0x1e]  }
0x85: {  	[hbm4b:s5+s2] =	stream.indirect_vreg.scatter [tilespmem:s12], [sflag:$0x3], $0x80, v3, vm0, $0xb8;
	[tilespmem:$0x18100] =	vst v63  }
0x86: {  	_ =	swait.ge [sflag:s11], $0xC000  }
0x87: {  	[sflag:s11] =	ssyncset.done $0x0  }
0x88: {  	[sflag:s11] =	ssyncadd.s32 $0xFFFF4000  }
0x89: {  	v3 =	vld [tilespmem:$0x80];
	_ =	sdelay $0x4  }
0x8a: {  	v60 =	vshrl.u32 v3, $0x3  }
0x8b: {  	v4 =	vmul.u32 $0x30, v60  }
0x8c: {  	v3 =	vand.u32 $0x7, v3  }
0x8d: {  	v3 =	vor.u32 v3, v4  }
0x8e: {  	v4 =	vperm.xlane v3, v0;
	_ =	sdelay $0x1  }
0x8f: {  	v4 =	vadd.s32 v1, v4;
	_ =	sdelay $0x3  }
0x90: {  	s0 =	rddreg [dreg:$0x1f];
	v3 =	vperm.xlane v3, v2  }
0x91: {  	[hbm4b:s3+s2] =	stream.indirect_vreg.scatter [tilespmem:s8], [sflag:$0x4], $0x80, v4, vm0, $0xb8;
	[tilespmem:$0x18100] =	vst v63  }
0x92: {  	s12 =	sld [smem:$0x7FA];
	v3 =	vadd.s32 v1, v3  }
0x93: {  	[hbm4b:s4+s2] =	stream.indirect_vreg.scatter [tilespmem:s0], [sflag:$0x4], $0x80, v4, vm0, $0xb8;
	[tilespmem:$0x18100] =	vst v63  }
0x94: {  	s0 =	sld [smem:$0x7FB]  }
0x95: {  	[hbm4b:s5+s2] =	stream.indirect_vreg.scatter [tilespmem:s12], [sflag:$0x4], $0x80, v4, vm0, $0xb8;
	[tilespmem:$0x18100] =	vst v63  }
0x96: {  	s12 =	sld [smem:$0x7FC]  }
0x97: {  	[hbm4b:s3+s2] =	stream.indirect_vreg.scatter [tilespmem:s0], [sflag:$0x4], $0x80, v3, vm0, $0xb8;
	[tilespmem:$0x18100] =	vst v63  }
0x98: {  	s0 =	sld [smem:$0x7FD]  }
0x99: {  	[hbm4b:s4+s2] =	stream.indirect_vreg.scatter [tilespmem:s12], [sflag:$0x4], $0x80, v3, vm0, $0xb8;
	[tilespmem:$0x18100] =	vst v63  }
0x9a: {  	_ = 	snop  }
0x9b: {  	[hbm4b:s5+s2] =	stream.indirect_vreg.scatter [tilespmem:s0], [sflag:$0x4], $0x80, v3, vm0, $0xb8;
	[tilespmem:$0x18100] =	vst v63  }
0x9c: {  	v3 =	vld [tilespmem:$0x90];
	_ =	sdelay $0x4  }
0x9d: {  	v61 =	vshrl.u32 v3, $0x3  }
0x9e: {  	v4 =	vmul.u32 $0x30, v61  }
0x9f: {  	v3 =	vand.u32 $0x7, v3  }
0xa0: {  	v3 =	vor.u32 v3, v4  }
0xa1: {  	v4 =	vperm.xlane v3, v0;
	_ =	sdelay $0x1  }
0xa2: {  	v4 =	vadd.s32 v1, v4;
	_ =	sdelay $0x3  }
0xa3: {  	s12 =	simm.s32 $0xF100;
	v3 =	vperm.xlane v3, v2  }
0xa4: {  	[hbm4b:s3+s2] =	stream.indirect_vreg.scatter [tilespmem:s12], [sflag:$0x4], $0x80, v4, vm0, $0xb8;
	[tilespmem:$0x18100] =	vst v63  }
0xa5: {  	v3 =	vadd.s32 v1, v3  }
0xa6: {  	[hbm4b:s4+s2] =	stream.indirect_vreg.scatter [tilespmem:s13], [sflag:$0x4], $0x80, v4, vm0, $0xb8;
	[tilespmem:$0x18100] =	vst v63  }
0xa7: {  	_ = 	snop  }
0xa8: {  	[hbm4b:s5+s2] =	stream.indirect_vreg.scatter [tilespmem:s14], [sflag:$0x4], $0x80, v4, vm0, $0xb8;
	[tilespmem:$0x18100] =	vst v63  }
0xa9: {  	_ = 	snop  }
0xaa: {  	[hbm4b:s3+s2] =	stream.indirect_vreg.scatter [tilespmem:s15], [sflag:$0x4], $0x80, v3, vm0, $0xb8;
	[tilespmem:$0x18100] =	vst v63  }
0xab: {  	_ = 	snop  }
0xac: {  	[hbm4b:s4+s2] =	stream.indirect_vreg.scatter [tilespmem:s16], [sflag:$0x4], $0x80, v3, vm0, $0xb8;
	[tilespmem:$0x18100] =	vst v63  }
0xad: {  	_ = 	snop  }
0xae: {  	[hbm4b:s5+s2] =	stream.indirect_vreg.scatter [tilespmem:s17], [sflag:$0x4], $0x80, v3, vm0, $0xb8;
	[tilespmem:$0x18100] =	vst v63  }
0xaf: {  	v3 =	vld [tilespmem:$0xA0];
	_ =	sdelay $0x4  }
0xb0: {  	v62 =	vshrl.u32 v3, $0x3  }
0xb1: {  	v4 =	vmul.u32 $0x30, v62  }
0xb2: {  	v3 =	vand.u32 $0x7, v3  }
0xb3: {  	v3 =	vor.u32 v3, v4  }
0xb4: {  	v4 =	vperm.xlane v3, v0;
	_ =	sdelay $0x1  }
0xb5: {  	v4 =	vadd.s32 v1, v4;
	_ =	sdelay $0x3  }
0xb6: {  	v3 =	vperm.xlane v3, v2  }
0xb7: {  	[hbm4b:s3+s2] =	stream.indirect_vreg.scatter [tilespmem:s18], [sflag:$0x4], $0x80, v4, vm0, $0xb8;
	[tilespmem:$0x18100] =	vst v63  }
0xb8: {  	v3 =	vadd.s32 v1, v3  }
0xb9: {  	[hbm4b:s4+s2] =	stream.indirect_vreg.scatter [tilespmem:s19], [sflag:$0x4], $0x80, v4, vm0, $0xb8;
	[tilespmem:$0x18100] =	vst v63  }
0xba: {  	_ = 	snop  }
0xbb: {  	[hbm4b:s5+s2] =	stream.indirect_vreg.scatter [tilespmem:s20], [sflag:$0x4], $0x80, v4, vm0, $0xb8;
	[tilespmem:$0x18100] =	vst v63  }
0xbc: {  	_ = 	snop  }
0xbd: {  	[hbm4b:s3+s2] =	stream.indirect_vreg.scatter [tilespmem:s21], [sflag:$0x4], $0x80, v3, vm0, $0xb8;
	[tilespmem:$0x18100] =	vst v63  }
0xbe: {  	_ = 	snop  }
0xbf: {  	[hbm4b:s4+s2] =	stream.indirect_vreg.scatter [tilespmem:s22], [sflag:$0x4], $0x80, v3, vm0, $0xb8;
	[tilespmem:$0x18100] =	vst v63  }
0xc0: {  	_ = 	snop  }
0xc1: {  	[hbm4b:s5+s2] =	stream.indirect_vreg.scatter [tilespmem:s23], [sflag:$0x4], $0x80, v3, vm0, $0xb8;
	[tilespmem:$0x18100] =	vst v63  }
0xc2: {  	v3 =	vld [tilespmem:$0xB0];
	_ =	sdelay $0x4  }
0xc3: {  	v63 =	vshrl.u32 v3, $0x3  }
0xc4: {  	v4 =	vmul.u32 $0x30, v63  }
0xc5: {  	v3 =	vand.u32 $0x7, v3  }
0xc6: {  	v3 =	vor.u32 v3, v4  }
0xc7: {  	v4 =	vperm.xlane v3, v0;
	_ =	sdelay $0x1  }
0xc8: {  	v4 =	vadd.s32 v1, v4;
	_ =	sdelay $0x3  }
0xc9: {  	v3 =	vperm.xlane v3, v2  }
0xca: {  	[hbm4b:s3+s2] =	stream.indirect_vreg.scatter [tilespmem:s24], [sflag:$0x4], $0x80, v4, vm0, $0xb8;
	[tilespmem:$0x18100] =	vst v63  }
0xcb: {  	v3 =	vadd.s32 v1, v3  }
0xcc: {  	[hbm4b:s4+s2] =	stream.indirect_vreg.scatter [tilespmem:s25], [sflag:$0x4], $0x80, v4, vm0, $0xb8;
	[tilespmem:$0x18100] =	vst v63  }
0xcd: {  	_ = 	snop  }
0xce: {  	[hbm4b:s5+s2] =	stream.indirect_vreg.scatter [tilespmem:s26], [sflag:$0x4], $0x80, v4, vm0, $0xb8;
	[tilespmem:$0x18100] =	vst v63  }
0xcf: {  	_ = 	snop  }
0xd0: {  	[hbm4b:s3+s2] =	stream.indirect_vreg.scatter [tilespmem:s28], [sflag:$0x4], $0x80, v3, vm0, $0xb8;
	[tilespmem:$0x18100] =	vst v63  }
0xd1: {  	_ = 	snop  }
0xd2: {  	[hbm4b:s4+s2] =	stream.indirect_vreg.scatter [tilespmem:s29], [sflag:$0x4], $0x80, v3, vm0, $0xb8;
	[tilespmem:$0x18100] =	vst v63  }
0xd3: {  	_ = 	snop  }
0xd4: {  	[hbm4b:s5+s2] =	stream.indirect_vreg.scatter [tilespmem:s30], [sflag:$0x4], $0x80, v3, vm0, $0xb8;
	[tilespmem:$0x18100] =	vst v63  }
0xd5: {  	p0 =	sne.s32 s6, $0x1;
	_ =	swait.ge [sflag:s31], $0xC000  }
.Ltmp0:
0xd6: {  	[sflag:s31] =	ssyncset.done $0x0;
	(pc) =	sbr.rel @p0 .LBB2_1-.Ltmp0, $4  }
0xd7: {  	[sflag:s31] =	ssyncadd.s32 $0xFFFF4000  }
0xd8: {  	_ =	swait.ge [sflag:s1], $0xC000  }
0xd9: {  	[sflag:s1] =	ssyncset.done $0x0  }
0xda: {  	s6 =	sadd.s32 $0xFFFFFFFF, s6;
	[sflag:s1] =	ssyncadd.s32 $0xFFFF4000  }
0xdb: {  	_ =	sfence.sel $0x180000  }
0xdc: {  	[bflag:$0x0] =	sbarrier.arrive $0xFFFF  }
0xdd: {  	_ =	strace $0x90000047  }
0xde: {  	s0 =	stileid.u32;
	[bflag:$0x2] =	sbarrier.arrive $0xFFFF  }
0xdf: {  	p0 =	sne.s32 s0, $0x0;
	s0 =	rddreg [dreg:$0x2]  }
0xe0: {  	s0 =	sadd.s32 @!p0 $0x100000, s0  }
0xe1: {  	[sflag:s0] =	ssyncadd.tile.s32 @!p0 $0x1;
	_ =	shalt  }
.Lfunc_end2:
_tile_overlayer_lowered:
.L_overlay_start_2:
0xe2: {  	(tag) =	ssettag $0x2  }
0xe3: {  	s0 =	rddreg [dreg:$0x0];
	s2 =	stileid.u32  }
0xe4: {  	s1 =	rddreg [dreg:$0x1];
	p0 =	sne.s32 s2, $0x0  }
0xe5: {  	s3 =	rddreg [dreg:$0x2];
	[bflag:$0x3] =	sbarrier.arrive $0xFFFF;
	s2 =	simm.s32 @!p0 $0x1C05  }
0xe6: {  	[timem:s3], [sflag:s2] =	dma.local @!p0 [hbm:s0], s1  }
0xe7: {  	s0 =	simm.s32 @!p0 $0x5  }
0xe8: {  	_ =	swait.ge @!p0 [sflag:s0], s1  }
0xe9: {  	s1 =	ssub.s32 @!p0 $0x0, s1;
	[sflag:s0] =	ssyncset.done @!p0 $0x0  }
0xea: {  	[sflag:s0] =	ssyncadd.s32 @!p0 s1  }
0xeb: {  	[bflag:$0x3] =	sbarrier.arrive $0xFFFF  }
0xec: {  	_ =	shalt  }

</sc_bundles>
